<compile_context>
chip_gen: v7x
topology: tpu7x:2x2x1
jax: 0.10.2.dev20260603
libtpu: 0.0.44.dev20260713+nightly
codegen_flags: <defaults>
</compile_context>

<pallas_src>
import functools

import jax
import jax.numpy as jnp
from jax import lax
from jax.experimental import pallas as pl
from jax.experimental.pallas import tpu as pltpu
from jax.experimental.pallas import tpu_sc as plsc

VOCAB = 49408
EMBED = 512
NUM_POS = 77
BATCH = 1024
SEQ = 77
TOTAL = BATCH * SEQ
NUM_WORKERS = 32
ROWS_PER_WORKER = TOTAL // NUM_WORKERS
CHUNK = 56
NCHUNKS = ROWS_PER_WORKER // CHUNK
NBUF = 3


def _gather_body(ids_hbm, table_hbm, out_hbm,
                 i0, i1, i2, b0, b1, b2,
                 s0, s1, s2, g0, g1, g2, w0, w1, w2):
  ibufs = (i0, i1, i2)
  isems = (s0, s1, s2)
  bufs = (b0, b1, b2)
  gsems = (g0, g1, g2)
  wsems = (w0, w1, w2)
  num_cores = 2
  wid = lax.axis_index("s") * num_cores + lax.axis_index("c")
  base = wid * ROWS_PER_WORKER

  def i_start(c, b):
    pltpu.async_copy(
        ids_hbm.at[pl.ds(base + c * CHUNK, CHUNK)], ibufs[b], isems[b])

  def i_wait(b):
    pltpu.make_async_copy(
        ids_hbm.at[pl.ds(0, CHUNK)], ibufs[b], isems[b]).wait()

  def g_start(b):
    pltpu.async_copy(table_hbm.at[ibufs[b]], bufs[b], gsems[b])

  def g_wait(b):
    pltpu.make_async_copy(table_hbm.at[ibufs[b]], bufs[b], gsems[b]).wait()

  def w_start(c, b):
    pltpu.async_copy(
        bufs[b], out_hbm.at[pl.ds(base + c * CHUNK, CHUNK)], wsems[b])

  def w_wait(b):
    pltpu.make_async_copy(
        bufs[b], out_hbm.at[pl.ds(0, CHUNK)], wsems[b]).wait()

  i_start(0, 0)
  i_start(1, 1)
  i_start(2, 2)
  i_wait(0)
  g_start(0)
  i_wait(1)
  g_start(1)

  def triple(t, carry):
    for b in range(NBUF):
      c = 3 * t + b

      @pl.when(c < NCHUNKS)
      def _step():
        g_wait(b)
        w_start(c, b)

        @pl.when(c >= 1)
        def _free():
          w_wait((b + 2) % NBUF)

        @pl.when(c + 3 < NCHUNKS)
        def _pref():
          i_start(c + 3, b)

        @pl.when(c + 2 < NCHUNKS)
        def _next():
          b2 = (b + 2) % NBUF
          i_wait(b2)
          g_start(b2)

    return carry

  lax.fori_loop(0, (NCHUNKS + NBUF) // NBUF, triple, 0)
  w_wait((NCHUNKS - 1) % NBUF)


def _add_body(gathered_ref, poscyc_ref, out_ref):
  out_ref[...] = gathered_ref[...] + poscyc_ref[...]


@jax.jit
def kernel(input_ids, token_embedding, position_embedding):
  ids_flat = input_ids.astype(jnp.int32).reshape(TOTAL)

  mesh = plsc.VectorSubcoreMesh(core_axis_name="c", subcore_axis_name="s")
  gather = pl.kernel(
      _gather_body,
      out_type=jax.ShapeDtypeStruct((TOTAL, EMBED), jnp.float32),
      mesh=mesh,
      scratch_types=[
          pltpu.VMEM((CHUNK,), jnp.int32),
          pltpu.VMEM((CHUNK,), jnp.int32),
          pltpu.VMEM((CHUNK,), jnp.int32),
          pltpu.VMEM((CHUNK, EMBED), jnp.float32),
          pltpu.VMEM((CHUNK, EMBED), jnp.float32),
          pltpu.VMEM((CHUNK, EMBED), jnp.float32),
          pltpu.SemaphoreType.DMA,
          pltpu.SemaphoreType.DMA,
          pltpu.SemaphoreType.DMA,
          pltpu.SemaphoreType.DMA,
          pltpu.SemaphoreType.DMA,
          pltpu.SemaphoreType.DMA,
          pltpu.SemaphoreType.DMA,
          pltpu.SemaphoreType.DMA,
          pltpu.SemaphoreType.DMA,
      ],
  )
  gathered = gather(ids_flat, token_embedding)

  poscyc = jnp.tile(position_embedding, (ROWS_PER_WORKER // NUM_POS, 1))
  out = pl.pallas_call(
      _add_body,
      out_shape=jax.ShapeDtypeStruct((TOTAL, EMBED), jnp.float32),
      grid=(TOTAL // ROWS_PER_WORKER,),
      in_specs=[
          pl.BlockSpec((ROWS_PER_WORKER, EMBED), lambda i: (i, 0)),
          pl.BlockSpec((ROWS_PER_WORKER, EMBED), lambda i: (0, 0)),
      ],
      out_specs=pl.BlockSpec((ROWS_PER_WORKER, EMBED), lambda i: (i, 0)),
  )(gathered, poscyc)
  return out.reshape(BATCH, SEQ, EMBED)

# --- scband reference (transcript-rebuilt; emitter-appended) ---
"""Pipeline reference for scband-tfcliptext-embeddings-42734924595724 (READ-ONLY COPY).

The authoritative reference and input builder live on the scoring server;
editing this copy changes nothing except your own understanding.
"""

import jax, jax.numpy as jnp
import numpy as np

VOCAB = 49408
EMBED = 512
NUM_POS = 77
BATCH = 1024
SEQ = 77

def setup_inputs(seed: int = 0) -> dict:
    key = jax.random.key(seed)
    k1, k2, k3 = jax.random.split(key, 3)
    input_ids = jax.random.randint(k1, (BATCH, SEQ), 0, VOCAB, dtype=jnp.int64 if jax.config.read('jax_enable_x64') else jnp.int32)
    token_embedding = jax.random.normal(k2, (VOCAB, EMBED), dtype=jnp.float32) * 0.02
    position_embedding = jax.random.normal(k3, (NUM_POS, EMBED), dtype=jnp.float32) * 0.02
    return {"input_ids": input_ids, "token_embedding": token_embedding, "position_embedding": position_embedding}

def reference(input_ids, token_embedding, position_embedding):
    # inputs_embeds = gather(token_embedding, input_ids)
    inputs_embeds = jnp.take(token_embedding, input_ids, axis=0)  # [B, S, D]
    B, S = input_ids.shape
    # position_ids default: range over seq dim, expanded to [1, S]
    position_ids = jnp.arange(S)[None, :]
    position_embeds = jnp.take(position_embedding, position_ids, axis=0)  # [1, S, D]
    position_embeds = jnp.tile(position_embeds, (B, 1, 1))
    final_embeddings = inputs_embeds + position_embeds
    return final_embeddings

if __name__ == "__main__":
    import jax
    _d = setup_inputs()
    print(jax.jit(kernel)(*tuple(_d.values())))

</pallas_src>

<mosaic_0001>
#map = affine_map<(d0, d1) -> (0)>
#map1 = affine_map<(d0, d1) -> (0, 0)>
module attributes {stable_mosaic.version = 14 : i64} {
  func.func @_gather_body(%arg0: i32, %arg1: i32, %arg2: memref<78848xi32, #tpu.memory_space<hbm>>, %arg3: memref<49408x512xf32, #tpu.memory_space<hbm>>, %arg4: memref<78848x512xf32, #tpu.memory_space<hbm>>, %arg5: memref<56xi32, #tpu.memory_space<vmem>>, %arg6: memref<56xi32, #tpu.memory_space<vmem>>, %arg7: memref<56xi32, #tpu.memory_space<vmem>>, %arg8: memref<56x512xf32, #tpu.memory_space<vmem>>, %arg9: memref<56x512xf32, #tpu.memory_space<vmem>>, %arg10: memref<56x512xf32, #tpu.memory_space<vmem>>, %arg11: memref<!tpu.dma_semaphore, #tpu.memory_space<semaphore_mem>>, %arg12: memref<!tpu.dma_semaphore, #tpu.memory_space<semaphore_mem>>, %arg13: memref<!tpu.dma_semaphore, #tpu.memory_space<semaphore_mem>>, %arg14: memref<!tpu.dma_semaphore, #tpu.memory_space<semaphore_mem>>, %arg15: memref<!tpu.dma_semaphore, #tpu.memory_space<semaphore_mem>>, %arg16: memref<!tpu.dma_semaphore, #tpu.memory_space<semaphore_mem>>, %arg17: memref<!tpu.dma_semaphore, #tpu.memory_space<semaphore_mem>>, %arg18: memref<!tpu.dma_semaphore, #tpu.memory_space<semaphore_mem>>, %arg19: memref<!tpu.dma_semaphore, #tpu.memory_space<semaphore_mem>>) attributes {dimension_semantics = [#tpu.dimension_semantics<core_parallel>, #tpu.dimension_semantics<subcore_parallel>], iteration_bounds = array<i64: 2, 16>, scalar_prefetch = 0 : i64, scratch_operands = 15 : i64, tpu.core_type = #tpu.core_type<sc_vector_subcore>, window_params = [{transform_indices = #map}, {transform_indices = #map1}, {transform_indices = #map1}]} {
    %mul3A = arith.constant 2 : i32
    %mul3A_0 = arith.muli %arg1, %mul3A : i32
    %add3A = arith.addi %mul3A_0, %arg0 : i32
    %mul3A_1 = arith.constant 2464 : i32
    %mul3A_2 = arith.muli %add3A, %mul3A_1 : i32
    %add3A_3 = arith.constant 0 : i32
    %add3A_4 = arith.addi %mul3A_2, %add3A_3 : i32
    %dma_start3A = tpu.memref_slice %arg2[%add3A_4] : memref<78848xi32, #tpu.memory_space<hbm>> -> memref<56xi32, #tpu.memory_space<hbm>>
    %dma_start3A_5 = tpu.memref_slice %arg2[%add3A_4] : memref<78848xi32, #tpu.memory_space<hbm>> -> memref<56xi32, #tpu.memory_space<hbm>>
    tpu.enqueue_dma source(%dma_start3A_5 : memref<56xi32, #tpu.memory_space<hbm>>) target(%arg5 : memref<56xi32, #tpu.memory_space<vmem>>) target_semaphore(%arg11 : memref<!tpu.dma_semaphore, #tpu.memory_space<semaphore_mem>>)
    %add3A_6 = arith.constant 56 : i32
    %add3A_7 = arith.addi %mul3A_2, %add3A_6 : i32
    %dma_start3A_8 = tpu.memref_slice %arg2[%add3A_7] : memref<78848xi32, #tpu.memory_space<hbm>> -> memref<56xi32, #tpu.memory_space<hbm>>
    %dma_start3A_9 = tpu.memref_slice %arg2[%add3A_7] : memref<78848xi32, #tpu.memory_space<hbm>> -> memref<56xi32, #tpu.memory_space<hbm>>
    tpu.enqueue_dma source(%dma_start3A_9 : memref<56xi32, #tpu.memory_space<hbm>>) target(%arg6 : memref<56xi32, #tpu.memory_space<vmem>>) target_semaphore(%arg12 : memref<!tpu.dma_semaphore, #tpu.memory_space<semaphore_mem>>)
    %add3A_10 = arith.constant 112 : i32
    %add3A_11 = arith.addi %mul3A_2, %add3A_10 : i32
    %dma_start3A_12 = tpu.memref_slice %arg2[%add3A_11] : memref<78848xi32, #tpu.memory_space<hbm>> -> memref<56xi32, #tpu.memory_space<hbm>>
    %dma_start3A_13 = tpu.memref_slice %arg2[%add3A_11] : memref<78848xi32, #tpu.memory_space<hbm>> -> memref<56xi32, #tpu.memory_space<hbm>>
    tpu.enqueue_dma source(%dma_start3A_13 : memref<56xi32, #tpu.memory_space<hbm>>) target(%arg7 : memref<56xi32, #tpu.memory_space<vmem>>) target_semaphore(%arg13 : memref<!tpu.dma_semaphore, #tpu.memory_space<semaphore_mem>>)
    %dma_wait3A = arith.constant 0 : i32
    %dma_wait3A_14 = tpu.memref_slice %arg2[%dma_wait3A] : memref<78848xi32, #tpu.memory_space<hbm>> -> memref<56xi32, #tpu.memory_space<hbm>>
    %dma_wait3A_15 = arith.constant 0 : i32
    %dma_wait3A_16 = tpu.memref_slice %arg2[%dma_wait3A_15] : memref<78848xi32, #tpu.memory_space<hbm>> -> memref<56xi32, #tpu.memory_space<hbm>>
    tpu.wait_dma2 semaphore(%arg11 : memref<!tpu.dma_semaphore, #tpu.memory_space<semaphore_mem>>) src(%dma_wait3A_16 : memref<56xi32, #tpu.memory_space<hbm>>) dst(%arg5 : memref<56xi32, #tpu.memory_space<vmem>>)
    %dma_start3A_17 = arith.constant 0 : i32
    %dma_start3A_18 = arith.constant 0 : i32
    %dma_start3A_19 = tpu.memref_slice %arg3[%dma_start3A_17, %dma_start3A_18] : memref<49408x512xf32, #tpu.memory_space<hbm>> -> memref<49408x512xf32, #tpu.memory_space<hbm>>
    tpu.enqueue_indirect_dma source(%dma_start3A_19 : memref<49408x512xf32, #tpu.memory_space<hbm>>) target(%arg8 : memref<56x512xf32, #tpu.memory_space<vmem>>) offsets(%arg5 : memref<56xi32, #tpu.memory_space<vmem>>) semaphore(%arg14 : memref<!tpu.dma_semaphore, #tpu.memory_space<semaphore_mem>>)
    %dma_wait3A_20 = arith.constant 0 : i32
    %dma_wait3A_21 = tpu.memref_slice %arg2[%dma_wait3A_20] : memref<78848xi32, #tpu.memory_space<hbm>> -> memref<56xi32, #tpu.memory_space<hbm>>
    %dma_wait3A_22 = arith.constant 0 : i32
    %dma_wait3A_23 = tpu.memref_slice %arg2[%dma_wait3A_22] : memref<78848xi32, #tpu.memory_space<hbm>> -> memref<56xi32, #tpu.memory_space<hbm>>
    tpu.wait_dma2 semaphore(%arg12 : memref<!tpu.dma_semaphore, #tpu.memory_space<semaphore_mem>>) src(%dma_wait3A_23 : memref<56xi32, #tpu.memory_space<hbm>>) dst(%arg6 : memref<56xi32, #tpu.memory_space<vmem>>)
    %dma_start3A_24 = arith.constant 0 : i32
    %dma_start3A_25 = arith.constant 0 : i32
    %dma_start3A_26 = tpu.memref_slice %arg3[%dma_start3A_24, %dma_start3A_25] : memref<49408x512xf32, #tpu.memory_space<hbm>> -> memref<49408x512xf32, #tpu.memory_space<hbm>>
    tpu.enqueue_indirect_dma source(%dma_start3A_26 : memref<49408x512xf32, #tpu.memory_space<hbm>>) target(%arg9 : memref<56x512xf32, #tpu.memory_space<vmem>>) offsets(%arg6 : memref<56xi32, #tpu.memory_space<vmem>>) semaphore(%arg15 : memref<!tpu.dma_semaphore, #tpu.memory_space<semaphore_mem>>)
    %scan3A = arith.constant 0 : i32
    %scan3A_27 = arith.constant 0 : i32
    %scan3A_28 = arith.constant 15 : i32
    %scan3A_29 = arith.addi %scan3A_27, %scan3A_28 : i32
    %scan3A_30 = arith.constant 1 : i32
    scf.for %scan3A_38 = %scan3A_27 to %scan3A_29 step %scan3A_30  : i32 {
      %mul3A_39 = arith.constant 3 : i32
      %mul3A_40 = arith.muli %mul3A_39, %scan3A_38 : i32
      %add3A_41 = arith.constant 0 : i32
      %add3A_42 = arith.addi %mul3A_40, %add3A_41 : i32
      %lt3A = arith.constant 44 : i32
      %lt3A_43 = arith.cmpi slt, %add3A_42, %lt3A : i32
      %convert_element_type3A = arith.extui %lt3A_43 : i1 to i32
      %cond3A = arith.constant 0 : i32
      %cond3A_44 = arith.cmpi ne, %convert_element_type3A, %cond3A : i32
      scf.if %cond3A_44 {
        %dma_wait3A_63 = arith.constant 0 : i32
        %dma_wait3A_64 = arith.constant 0 : i32
        %dma_wait3A_65 = tpu.memref_slice %arg3[%dma_wait3A_63, %dma_wait3A_64] : memref<49408x512xf32, #tpu.memory_space<hbm>> -> memref<49408x512xf32, #tpu.memory_space<hbm>>
        tpu.wait_indirect_dma semaphore(%arg14 : memref<!tpu.dma_semaphore, #tpu.memory_space<semaphore_mem>>) src(%dma_wait3A_65 : memref<49408x512xf32, #tpu.memory_space<hbm>>) dst(%arg8 : memref<56x512xf32, #tpu.memory_space<vmem>>)
        %mul3A_66 = arith.constant 56 : i32
        %mul3A_67 = arith.muli %add3A_42, %mul3A_66 : i32
        %add3A_68 = arith.addi %mul3A_2, %mul3A_67 : i32
        %dma_start3A_69 = arith.constant 0 : i32
        %dma_start3A_70 = tpu.memref_slice %arg4[%add3A_68, %dma_start3A_69] : memref<78848x512xf32, #tpu.memory_space<hbm>> -> memref<56x512xf32, #tpu.memory_space<hbm>>
        %dma_start3A_71 = arith.constant 0 : i32
        %dma_start3A_72 = tpu.memref_slice %arg4[%add3A_68, %dma_start3A_71] : memref<78848x512xf32, #tpu.memory_space<hbm>> -> memref<56x512xf32, #tpu.memory_space<hbm>>
        tpu.enqueue_dma source(%arg8 : memref<56x512xf32, #tpu.memory_space<vmem>>) target(%dma_start3A_72 : memref<56x512xf32, #tpu.memory_space<hbm>>) target_semaphore(%arg17 : memref<!tpu.dma_semaphore, #tpu.memory_space<semaphore_mem>>)
        %ge3A = arith.constant 1 : i32
        %ge3A_73 = arith.cmpi sge, %add3A_42, %ge3A : i32
        %convert_element_type3A_74 = arith.extui %ge3A_73 : i1 to i32
        %cond3A_75 = arith.constant 0 : i32
        %cond3A_76 = arith.cmpi ne, %convert_element_type3A_74, %cond3A_75 : i32
        scf.if %cond3A_76 {
          %dma_wait3A_91 = arith.constant 0 : i32
          %dma_wait3A_92 = arith.constant 0 : i32
          %dma_wait3A_93 = tpu.memref_slice %arg4[%dma_wait3A_91, %dma_wait3A_92] : memref<78848x512xf32, #tpu.memory_space<hbm>> -> memref<56x512xf32, #tpu.memory_space<hbm>>
          %dma_wait3A_94 = arith.constant 0 : i32
          %dma_wait3A_95 = arith.constant 0 : i32
          %dma_wait3A_96 = tpu.memref_slice %arg4[%dma_wait3A_94, %dma_wait3A_95] : memref<78848x512xf32, #tpu.memory_space<hbm>> -> memref<56x512xf32, #tpu.memory_space<hbm>>
          tpu.wait_dma2 semaphore(%arg19 : memref<!tpu.dma_semaphore, #tpu.memory_space<semaphore_mem>>) src(%arg10 : memref<56x512xf32, #tpu.memory_space<vmem>>) dst(%dma_wait3A_96 : memref<56x512xf32, #tpu.memory_space<hbm>>)
        } else {
        }
        %add3A_77 = arith.constant 3 : i32
        %add3A_78 = arith.addi %add3A_42, %add3A_77 : i32
        %lt3A_79 = arith.constant 44 : i32
        %lt3A_80 = arith.cmpi slt, %add3A_78, %lt3A_79 : i32
        %convert_element_type3A_81 = arith.extui %lt3A_80 : i1 to i32
        %cond3A_82 = arith.constant 0 : i32
        %cond3A_83 = arith.cmpi ne, %convert_element_type3A_81, %cond3A_82 : i32
        scf.if %cond3A_83 {
          %add3A_91 = arith.constant 3 : i32
          %add3A_92 = arith.addi %add3A_42, %add3A_91 : i32
          %mul3A_93 = arith.constant 56 : i32
          %mul3A_94 = arith.muli %add3A_92, %mul3A_93 : i32
          %add3A_95 = arith.addi %mul3A_2, %mul3A_94 : i32
          %dma_start3A_96 = tpu.memref_slice %arg2[%add3A_95] : memref<78848xi32, #tpu.memory_space<hbm>> -> memref<56xi32, #tpu.memory_space<hbm>>
          %dma_start3A_97 = tpu.memref_slice %arg2[%add3A_95] : memref<78848xi32, #tpu.memory_space<hbm>> -> memref<56xi32, #tpu.memory_space<hbm>>
          tpu.enqueue_dma source(%dma_start3A_97 : memref<56xi32, #tpu.memory_space<hbm>>) target(%arg5 : memref<56xi32, #tpu.memory_space<vmem>>) target_semaphore(%arg11 : memref<!tpu.dma_semaphore, #tpu.memory_space<semaphore_mem>>)
        } else {
        }
        %add3A_84 = arith.constant 2 : i32
        %add3A_85 = arith.addi %add3A_42, %add3A_84 : i32
        %lt3A_86 = arith.constant 44 : i32
        %lt3A_87 = arith.cmpi slt, %add3A_85, %lt3A_86 : i32
        %convert_element_type3A_88 = arith.extui %lt3A_87 : i1 to i32
        %cond3A_89 = arith.constant 0 : i32
        %cond3A_90 = arith.cmpi ne, %convert_element_type3A_88, %cond3A_89 : i32
        scf.if %cond3A_90 {
          %dma_wait3A_91 = arith.constant 0 : i32
          %dma_wait3A_92 = tpu.memref_slice %arg2[%dma_wait3A_91] : memref<78848xi32, #tpu.memory_space<hbm>> -> memref<56xi32, #tpu.memory_space<hbm>>
          %dma_wait3A_93 = arith.constant 0 : i32
          %dma_wait3A_94 = tpu.memref_slice %arg2[%dma_wait3A_93] : memref<78848xi32, #tpu.memory_space<hbm>> -> memref<56xi32, #tpu.memory_space<hbm>>
          tpu.wait_dma2 semaphore(%arg13 : memref<!tpu.dma_semaphore, #tpu.memory_space<semaphore_mem>>) src(%dma_wait3A_94 : memref<56xi32, #tpu.memory_space<hbm>>) dst(%arg7 : memref<56xi32, #tpu.memory_space<vmem>>)
          %dma_start3A_95 = arith.constant 0 : i32
          %dma_start3A_96 = arith.constant 0 : i32
          %dma_start3A_97 = tpu.memref_slice %arg3[%dma_start3A_95, %dma_start3A_96] : memref<49408x512xf32, #tpu.memory_space<hbm>> -> memref<49408x512xf32, #tpu.memory_space<hbm>>
          tpu.enqueue_indirect_dma source(%dma_start3A_97 : memref<49408x512xf32, #tpu.memory_space<hbm>>) target(%arg10 : memref<56x512xf32, #tpu.memory_space<vmem>>) offsets(%arg7 : memref<56xi32, #tpu.memory_space<vmem>>) semaphore(%arg16 : memref<!tpu.dma_semaphore, #tpu.memory_space<semaphore_mem>>)
        } else {
        }
      } else {
      }
      %mul3A_45 = arith.constant 3 : i32
      %mul3A_46 = arith.muli %mul3A_45, %scan3A_38 : i32
      %add3A_47 = arith.constant 1 : i32
      %add3A_48 = arith.addi %mul3A_46, %add3A_47 : i32
      %lt3A_49 = arith.constant 44 : i32
      %lt3A_50 = arith.cmpi slt, %add3A_48, %lt3A_49 : i32
      %convert_element_type3A_51 = arith.extui %lt3A_50 : i1 to i32
      %cond3A_52 = arith.constant 0 : i32
      %cond3A_53 = arith.cmpi ne, %convert_element_type3A_51, %cond3A_52 : i32
      scf.if %cond3A_53 {
        %dma_wait3A_63 = arith.constant 0 : i32
        %dma_wait3A_64 = arith.constant 0 : i32
        %dma_wait3A_65 = tpu.memref_slice %arg3[%dma_wait3A_63, %dma_wait3A_64] : memref<49408x512xf32, #tpu.memory_space<hbm>> -> memref<49408x512xf32, #tpu.memory_space<hbm>>
        tpu.wait_indirect_dma semaphore(%arg15 : memref<!tpu.dma_semaphore, #tpu.memory_space<semaphore_mem>>) src(%dma_wait3A_65 : memref<49408x512xf32, #tpu.memory_space<hbm>>) dst(%arg9 : memref<56x512xf32, #tpu.memory_space<vmem>>)
        %mul3A_66 = arith.constant 56 : i32
        %mul3A_67 = arith.muli %add3A_48, %mul3A_66 : i32
        %add3A_68 = arith.addi %mul3A_2, %mul3A_67 : i32
        %dma_start3A_69 = arith.constant 0 : i32
        %dma_start3A_70 = tpu.memref_slice %arg4[%add3A_68, %dma_start3A_69] : memref<78848x512xf32, #tpu.memory_space<hbm>> -> memref<56x512xf32, #tpu.memory_space<hbm>>
        %dma_start3A_71 = arith.constant 0 : i32
        %dma_start3A_72 = tpu.memref_slice %arg4[%add3A_68, %dma_start3A_71] : memref<78848x512xf32, #tpu.memory_space<hbm>> -> memref<56x512xf32, #tpu.memory_space<hbm>>
        tpu.enqueue_dma source(%arg9 : memref<56x512xf32, #tpu.memory_space<vmem>>) target(%dma_start3A_72 : memref<56x512xf32, #tpu.memory_space<hbm>>) target_semaphore(%arg18 : memref<!tpu.dma_semaphore, #tpu.memory_space<semaphore_mem>>)
        %ge3A = arith.constant 1 : i32
        %ge3A_73 = arith.cmpi sge, %add3A_48, %ge3A : i32
        %convert_element_type3A_74 = arith.extui %ge3A_73 : i1 to i32
        %cond3A_75 = arith.constant 0 : i32
        %cond3A_76 = arith.cmpi ne, %convert_element_type3A_74, %cond3A_75 : i32
        scf.if %cond3A_76 {
          %dma_wait3A_91 = arith.constant 0 : i32
          %dma_wait3A_92 = arith.constant 0 : i32
          %dma_wait3A_93 = tpu.memref_slice %arg4[%dma_wait3A_91, %dma_wait3A_92] : memref<78848x512xf32, #tpu.memory_space<hbm>> -> memref<56x512xf32, #tpu.memory_space<hbm>>
          %dma_wait3A_94 = arith.constant 0 : i32
          %dma_wait3A_95 = arith.constant 0 : i32
          %dma_wait3A_96 = tpu.memref_slice %arg4[%dma_wait3A_94, %dma_wait3A_95] : memref<78848x512xf32, #tpu.memory_space<hbm>> -> memref<56x512xf32, #tpu.memory_space<hbm>>
          tpu.wait_dma2 semaphore(%arg17 : memref<!tpu.dma_semaphore, #tpu.memory_space<semaphore_mem>>) src(%arg8 : memref<56x512xf32, #tpu.memory_space<vmem>>) dst(%dma_wait3A_96 : memref<56x512xf32, #tpu.memory_space<hbm>>)
        } else {
        }
        %add3A_77 = arith.constant 3 : i32
        %add3A_78 = arith.addi %add3A_48, %add3A_77 : i32
        %lt3A_79 = arith.constant 44 : i32
        %lt3A_80 = arith.cmpi slt, %add3A_78, %lt3A_79 : i32
        %convert_element_type3A_81 = arith.extui %lt3A_80 : i1 to i32
        %cond3A_82 = arith.constant 0 : i32
        %cond3A_83 = arith.cmpi ne, %convert_element_type3A_81, %cond3A_82 : i32
        scf.if %cond3A_83 {
          %add3A_91 = arith.constant 3 : i32
          %add3A_92 = arith.addi %add3A_48, %add3A_91 : i32
          %mul3A_93 = arith.constant 56 : i32
          %mul3A_94 = arith.muli %add3A_92, %mul3A_93 : i32
          %add3A_95 = arith.addi %mul3A_2, %mul3A_94 : i32
          %dma_start3A_96 = tpu.memref_slice %arg2[%add3A_95] : memref<78848xi32, #tpu.memory_space<hbm>> -> memref<56xi32, #tpu.memory_space<hbm>>
          %dma_start3A_97 = tpu.memref_slice %arg2[%add3A_95] : memref<78848xi32, #tpu.memory_space<hbm>> -> memref<56xi32, #tpu.memory_space<hbm>>
          tpu.enqueue_dma source(%dma_start3A_97 : memref<56xi32, #tpu.memory_space<hbm>>) target(%arg6 : memref<56xi32, #tpu.memory_space<vmem>>) target_semaphore(%arg12 : memref<!tpu.dma_semaphore, #tpu.memory_space<semaphore_mem>>)
        } else {
        }
        %add3A_84 = arith.constant 2 : i32
        %add3A_85 = arith.addi %add3A_48, %add3A_84 : i32
        %lt3A_86 = arith.constant 44 : i32
        %lt3A_87 = arith.cmpi slt, %add3A_85, %lt3A_86 : i32
        %convert_element_type3A_88 = arith.extui %lt3A_87 : i1 to i32
        %cond3A_89 = arith.constant 0 : i32
        %cond3A_90 = arith.cmpi ne, %convert_element_type3A_88, %cond3A_89 : i32
        scf.if %cond3A_90 {
          %dma_wait3A_91 = arith.constant 0 : i32
          %dma_wait3A_92 = tpu.memref_slice %arg2[%dma_wait3A_91] : memref<78848xi32, #tpu.memory_space<hbm>> -> memref<56xi32, #tpu.memory_space<hbm>>
          %dma_wait3A_93 = arith.constant 0 : i32
          %dma_wait3A_94 = tpu.memref_slice %arg2[%dma_wait3A_93] : memref<78848xi32, #tpu.memory_space<hbm>> -> memref<56xi32, #tpu.memory_space<hbm>>
          tpu.wait_dma2 semaphore(%arg11 : memref<!tpu.dma_semaphore, #tpu.memory_space<semaphore_mem>>) src(%dma_wait3A_94 : memref<56xi32, #tpu.memory_space<hbm>>) dst(%arg5 : memref<56xi32, #tpu.memory_space<vmem>>)
          %dma_start3A_95 = arith.constant 0 : i32
          %dma_start3A_96 = arith.constant 0 : i32
          %dma_start3A_97 = tpu.memref_slice %arg3[%dma_start3A_95, %dma_start3A_96] : memref<49408x512xf32, #tpu.memory_space<hbm>> -> memref<49408x512xf32, #tpu.memory_space<hbm>>
          tpu.enqueue_indirect_dma source(%dma_start3A_97 : memref<49408x512xf32, #tpu.memory_space<hbm>>) target(%arg8 : memref<56x512xf32, #tpu.memory_space<vmem>>) offsets(%arg5 : memref<56xi32, #tpu.memory_space<vmem>>) semaphore(%arg14 : memref<!tpu.dma_semaphore, #tpu.memory_space<semaphore_mem>>)
        } else {
        }
      } else {
      }
      %mul3A_54 = arith.constant 3 : i32
      %mul3A_55 = arith.muli %mul3A_54, %scan3A_38 : i32
      %add3A_56 = arith.constant 2 : i32
      %add3A_57 = arith.addi %mul3A_55, %add3A_56 : i32
      %lt3A_58 = arith.constant 44 : i32
      %lt3A_59 = arith.cmpi slt, %add3A_57, %lt3A_58 : i32
      %convert_element_type3A_60 = arith.extui %lt3A_59 : i1 to i32
      %cond3A_61 = arith.constant 0 : i32
      %cond3A_62 = arith.cmpi ne, %convert_element_type3A_60, %cond3A_61 : i32
      scf.if %cond3A_62 {
        %dma_wait3A_63 = arith.constant 0 : i32
        %dma_wait3A_64 = arith.constant 0 : i32
        %dma_wait3A_65 = tpu.memref_slice %arg3[%dma_wait3A_63, %dma_wait3A_64] : memref<49408x512xf32, #tpu.memory_space<hbm>> -> memref<49408x512xf32, #tpu.memory_space<hbm>>
        tpu.wait_indirect_dma semaphore(%arg16 : memref<!tpu.dma_semaphore, #tpu.memory_space<semaphore_mem>>) src(%dma_wait3A_65 : memref<49408x512xf32, #tpu.memory_space<hbm>>) dst(%arg10 : memref<56x512xf32, #tpu.memory_space<vmem>>)
        %mul3A_66 = arith.constant 56 : i32
        %mul3A_67 = arith.muli %add3A_57, %mul3A_66 : i32
        %add3A_68 = arith.addi %mul3A_2, %mul3A_67 : i32
        %dma_start3A_69 = arith.constant 0 : i32
        %dma_start3A_70 = tpu.memref_slice %arg4[%add3A_68, %dma_start3A_69] : memref<78848x512xf32, #tpu.memory_space<hbm>> -> memref<56x512xf32, #tpu.memory_space<hbm>>
        %dma_start3A_71 = arith.constant 0 : i32
        %dma_start3A_72 = tpu.memref_slice %arg4[%add3A_68, %dma_start3A_71] : memref<78848x512xf32, #tpu.memory_space<hbm>> -> memref<56x512xf32, #tpu.memory_space<hbm>>
        tpu.enqueue_dma source(%arg10 : memref<56x512xf32, #tpu.memory_space<vmem>>) target(%dma_start3A_72 : memref<56x512xf32, #tpu.memory_space<hbm>>) target_semaphore(%arg19 : memref<!tpu.dma_semaphore, #tpu.memory_space<semaphore_mem>>)
        %ge3A = arith.constant 1 : i32
        %ge3A_73 = arith.cmpi sge, %add3A_57, %ge3A : i32
        %convert_element_type3A_74 = arith.extui %ge3A_73 : i1 to i32
        %cond3A_75 = arith.constant 0 : i32
        %cond3A_76 = arith.cmpi ne, %convert_element_type3A_74, %cond3A_75 : i32
        scf.if %cond3A_76 {
          %dma_wait3A_91 = arith.constant 0 : i32
          %dma_wait3A_92 = arith.constant 0 : i32
          %dma_wait3A_93 = tpu.memref_slice %arg4[%dma_wait3A_91, %dma_wait3A_92] : memref<78848x512xf32, #tpu.memory_space<hbm>> -> memref<56x512xf32, #tpu.memory_space<hbm>>
          %dma_wait3A_94 = arith.constant 0 : i32
          %dma_wait3A_95 = arith.constant 0 : i32
          %dma_wait3A_96 = tpu.memref_slice %arg4[%dma_wait3A_94, %dma_wait3A_95] : memref<78848x512xf32, #tpu.memory_space<hbm>> -> memref<56x512xf32, #tpu.memory_space<hbm>>
          tpu.wait_dma2 semaphore(%arg18 : memref<!tpu.dma_semaphore, #tpu.memory_space<semaphore_mem>>) src(%arg9 : memref<56x512xf32, #tpu.memory_space<vmem>>) dst(%dma_wait3A_96 : memref<56x512xf32, #tpu.memory_space<hbm>>)
        } else {
        }
        %add3A_77 = arith.constant 3 : i32
        %add3A_78 = arith.addi %add3A_57, %add3A_77 : i32
        %lt3A_79 = arith.constant 44 : i32
        %lt3A_80 = arith.cmpi slt, %add3A_78, %lt3A_79 : i32
        %convert_element_type3A_81 = arith.extui %lt3A_80 : i1 to i32
        %cond3A_82 = arith.constant 0 : i32
        %cond3A_83 = arith.cmpi ne, %convert_element_type3A_81, %cond3A_82 : i32
        scf.if %cond3A_83 {
          %add3A_91 = arith.constant 3 : i32
          %add3A_92 = arith.addi %add3A_57, %add3A_91 : i32
          %mul3A_93 = arith.constant 56 : i32
          %mul3A_94 = arith.muli %add3A_92, %mul3A_93 : i32
          %add3A_95 = arith.addi %mul3A_2, %mul3A_94 : i32
          %dma_start3A_96 = tpu.memref_slice %arg2[%add3A_95] : memref<78848xi32, #tpu.memory_space<hbm>> -> memref<56xi32, #tpu.memory_space<hbm>>
          %dma_start3A_97 = tpu.memref_slice %arg2[%add3A_95] : memref<78848xi32, #tpu.memory_space<hbm>> -> memref<56xi32, #tpu.memory_space<hbm>>
          tpu.enqueue_dma source(%dma_start3A_97 : memref<56xi32, #tpu.memory_space<hbm>>) target(%arg7 : memref<56xi32, #tpu.memory_space<vmem>>) target_semaphore(%arg13 : memref<!tpu.dma_semaphore, #tpu.memory_space<semaphore_mem>>)
        } else {
        }
        %add3A_84 = arith.constant 2 : i32
        %add3A_85 = arith.addi %add3A_57, %add3A_84 : i32
        %lt3A_86 = arith.constant 44 : i32
        %lt3A_87 = arith.cmpi slt, %add3A_85, %lt3A_86 : i32
        %convert_element_type3A_88 = arith.extui %lt3A_87 : i1 to i32
        %cond3A_89 = arith.constant 0 : i32
        %cond3A_90 = arith.cmpi ne, %convert_element_type3A_88, %cond3A_89 : i32
        scf.if %cond3A_90 {
          %dma_wait3A_91 = arith.constant 0 : i32
          %dma_wait3A_92 = tpu.memref_slice %arg2[%dma_wait3A_91] : memref<78848xi32, #tpu.memory_space<hbm>> -> memref<56xi32, #tpu.memory_space<hbm>>
          %dma_wait3A_93 = arith.constant 0 : i32
          %dma_wait3A_94 = tpu.memref_slice %arg2[%dma_wait3A_93] : memref<78848xi32, #tpu.memory_space<hbm>> -> memref<56xi32, #tpu.memory_space<hbm>>
          tpu.wait_dma2 semaphore(%arg12 : memref<!tpu.dma_semaphore, #tpu.memory_space<semaphore_mem>>) src(%dma_wait3A_94 : memref<56xi32, #tpu.memory_space<hbm>>) dst(%arg6 : memref<56xi32, #tpu.memory_space<vmem>>)
          %dma_start3A_95 = arith.constant 0 : i32
          %dma_start3A_96 = arith.constant 0 : i32
          %dma_start3A_97 = tpu.memref_slice %arg3[%dma_start3A_95, %dma_start3A_96] : memref<49408x512xf32, #tpu.memory_space<hbm>> -> memref<49408x512xf32, #tpu.memory_space<hbm>>
          tpu.enqueue_indirect_dma source(%dma_start3A_97 : memref<49408x512xf32, #tpu.memory_space<hbm>>) target(%arg9 : memref<56x512xf32, #tpu.memory_space<vmem>>) offsets(%arg6 : memref<56xi32, #tpu.memory_space<vmem>>) semaphore(%arg15 : memref<!tpu.dma_semaphore, #tpu.memory_space<semaphore_mem>>)
        } else {
        }
      } else {
      }
    }
    %scan3A_31 = arith.constant 15 : i32
    %dma_wait3A_32 = arith.constant 0 : i32
    %dma_wait3A_33 = arith.constant 0 : i32
    %dma_wait3A_34 = tpu.memref_slice %arg4[%dma_wait3A_32, %dma_wait3A_33] : memref<78848x512xf32, #tpu.memory_space<hbm>> -> memref<56x512xf32, #tpu.memory_space<hbm>>
    %dma_wait3A_35 = arith.constant 0 : i32
    %dma_wait3A_36 = arith.constant 0 : i32
    %dma_wait3A_37 = tpu.memref_slice %arg4[%dma_wait3A_35, %dma_wait3A_36] : memref<78848x512xf32, #tpu.memory_space<hbm>> -> memref<56x512xf32, #tpu.memory_space<hbm>>
    tpu.wait_dma2 semaphore(%arg18 : memref<!tpu.dma_semaphore, #tpu.memory_space<semaphore_mem>>) src(%arg9 : memref<56x512xf32, #tpu.memory_space<vmem>>) dst(%dma_wait3A_37 : memref<56x512xf32, #tpu.memory_space<hbm>>)
    return
  }
}

module attributes {stable_mosaic.version = 14 : i64} {
  func.func @_add_body(%arg0: i32, %arg1: memref<2464x512xf32, #tpu.memory_space<vmem>>, %arg2: memref<2464x512xf32, #tpu.memory_space<vmem>>, %arg3: memref<2464x512xf32, #tpu.memory_space<vmem>>) attributes {dimension_semantics = [#tpu.dimension_semantics<arbitrary>], iteration_bounds = array<i64: 32>, scalar_prefetch = 0 : i64, scratch_operands = 0 : i64, tpu.core_type = #tpu.core_type<tc>, window_params = [{transform_indices = @transform_0, window_bounds = array<i64: 2464, 512>}, {pipeline_mode = #tpu.pipeline_mode<synchronous>, transform_indices = @transform_1, window_bounds = array<i64: 2464, 512>}, {transform_indices = @transform_2, window_bounds = array<i64: 2464, 512>}]} {
    %get3A = arith.constant 0 : index
    %get3A_0 = arith.constant 0 : index
    %get3A_1 = vector.load %arg1[%get3A, %get3A_0] : memref<2464x512xf32, #tpu.memory_space<vmem>>, vector<2464x512xf32>
    %get3A_2 = arith.constant 0 : index
    %get3A_3 = arith.constant 0 : index
    %get3A_4 = vector.load %arg2[%get3A_2, %get3A_3] : memref<2464x512xf32, #tpu.memory_space<vmem>>, vector<2464x512xf32>
    %add3A = arith.addf %get3A_1, %get3A_4 : vector<2464x512xf32>
    %swap3A = arith.constant 0 : index
    %swap3A_5 = arith.constant 0 : index
    %swap3A_6 = vector.load %arg3[%swap3A, %swap3A_5] : memref<2464x512xf32, #tpu.memory_space<vmem>>, vector<2464x512xf32>
    tpu.vector_store %arg3[%swap3A, %swap3A_5], %add3A {strides = array<i32>} : memref<2464x512xf32, #tpu.memory_space<vmem>>, vector<2464x512xf32>,
    return
  }
  func.func @transform_0(%arg0: i32) -> (i32, i32) {
    %c0_i32 = arith.constant 0 : i32
    %c0_i32_0 = arith.constant 0 : i32
    return %arg0, %c0_i32 : i32, i32
  }
  func.func @transform_1(%arg0: i32) -> (i32, i32) {
    %c0_i32 = arith.constant 0 : i32
    %c0_i32_0 = arith.constant 0 : i32
    %c0_i32_1 = arith.constant 0 : i32
    return %c0_i32, %c0_i32_0 : i32, i32
  }
  func.func @transform_2(%arg0: i32) -> (i32, i32) {
    %c0_i32 = arith.constant 0 : i32
    %c0_i32_0 = arith.constant 0 : i32
    return %arg0, %c0_i32 : i32, i32
  }
}

</mosaic_0001>

<sc_bundles>
// kernel: kernel.4.cloned.1.call-start
scs
__scs_entry_jumppad:
0x0: {  	(pc) =	sbr.rel $0x88, $3  }
0x1: {  	(tag) =	ssettag $0x0;
	lr =	simm.s32 $0x1  }
0x2: {  	[smem:$0x3F9E] =	sst lr;
	_ =	strace $0xD0000000  }
0x3: {  	_ = 	snop  }
0x4: {  	_ = 	snop  }
0x5: {  	_ = 	snop  }
0x6: {  	_ = 	snop  }
0x7: {  	_ = 	snop  }
__scs_overlays_trampoline_lowered:
0x8: {  	[smem:$0x3FAD] =	sst s0  }
0x9: {  	[smem:$0x3FAE] =	sst s1  }
0xa: {  	[smem:$0x3FAF] =	sst s2  }
0xb: {  	[smem:$0x3FB0] =	sst s3  }
0xc: {  	[smem:$0x3FB1] =	sst s4  }
0xd: {  	[smem:$0x3FB2] =	sst s5  }
0xe: {  	[smem:$0x3FB3] =	sst s6  }
0xf: {  	[smem:$0x3FB4] =	sst s7  }
0x10: {  	[smem:$0x3FB5] =	sst s8  }
0x11: {  	[smem:$0x3FB6] =	sst s9;
	s0 =	simm.s32 @!p0 $0x0  }
0x12: {  	s1 =	sld [smem:$0x3F9C];
	s0 =	simm.s32 @p0 $0x1  }
0x13: {  	[smem:$0x3FB7] =	sst s0;
	s0 =	simm.s32 @!p1 $0x0  }
0x14: {  	s2 =	sld [smem:$0x3F9B];
	s0 =	simm.s32 @p1 $0x1  }
0x15: {  	[smem:$0x3FB8] =	sst s0;
	s0 =	simm.s32 @!p2 $0x0  }
0x16: {  	s3 =	sld [smem:$0x3FDB];
	s0 =	simm.s32 @p2 $0x1  }
0x17: {  	s4 =	simm.s32 $0x1BF5;
	[smem:$0x3FBA] =	sst s0  }
0x18: {  	s0 =	sld [smem:$0x3F9D];
	_ =	swait.ge [sflag:s4], $0x0  }
0x19: {  	s7 =	sld [smem:$0x3F9E]  }
0x1a: {  	s8 =	sadd.s32 $0xFFFFE003, lr  }
0x1b: {  	s9 =	sadd.s32 $0xFFFFFEF7, lr;
	s5 =	simm.s32 $0xFFFFFFFF;
	p2 =	slt.u32 s8, $0xFFFFF086  }
0x1c: {  	p1 =	slt.u32 s9, $0xF7A;
	s5 =	simm.s32 @!p2 $0x0  }
0x1d: {  	s5 =	simm.s32 @p1 $0x1;
	p0 =	seq.s32 s7, s2  }
0x1e: {  	s7 =	smul.u32 @!p0 $0xF7A, s2;
	p2 =	seq.s32 @!p0 s5, $0x0  }
0x1f: {  	s9 =	smul.u32 $0xF7A, s1;
	s8 =	simm.s32 @!p0 $0x1BF5;
	p2 =	por !p2, p0  }
0x20: {  	[sflag:s8] =	ssyncset.s32 @!p0 $0xFFFFF086;
	s6 =	sadd.s32 @!p0 s3, s7;
	s7 =	simm.s32 @!p0 $0x108  }
0x21: {  	s3 =	sadd.s32 s3, s9;
	s6 =	sadd.s32 @!p0 $0x88, s6;
	s7 =	simm.s32 @p2 $0x1082  }
0x22: {  	[simem:s7], [sflag:s8] =	dma.local @!p0 [hbm:s6], $0xF7A  }
0x23: {  	s9 =	sor.u32 $0xD0000000, s2;
	s6 =	simm.s32 $0x108;
	_ =	swait.ge @!p0 [sflag:s8], $0x0  }
0x24: {  	s3 =	sadd.s32 $0x88, s3;
	s6 =	simm.s32 @!p1 $0x1082;
	[sflag:s4] =	ssyncset.s32 $0xFFFFF086  }
0x25: {  	[simem:s6], [sflag:s4] =	dma.local [hbm:s3], $0xF7A  }
0x26: {  	[smem:$0x3F9E] =	sst s1;
	(tag) =	ssettag s2;
	_ =	strace s9  }
0x27: {  	s1 =	sld [smem:$0x3FAE]  }
0x28: {  	s2 =	sld [smem:$0x3FAF]  }
0x29: {  	s4 =	sld [smem:$0x3FB1]  }
0x2a: {  	p0 =	seq.s32 s5, $0x0;
	s5 =	sld [smem:$0x3FB2]  }
0x2b: {  	s6 =	sld [smem:$0x3FB3]  }
0x2c: {  	s7 =	sld [smem:$0x3FB4]  }
0x2d: {  	s3 =	simm.s32 $0x108;
	s8 =	sld [smem:$0x3FB5]  }
0x2e: {  	s3 =	simm.s32 @!p0 $0x1082;
	s9 =	sld [smem:$0x3FB6]  }
0x2f: {  	lr =	sadd.s32 s0, s3;
	s0 =	sld [smem:$0x3FAD]  }
0x30: {  	s3 =	sld [smem:$0x3FB0]  }
0x31: {  	[smem:$0x3FB9] =	sst s10  }
0x32: {  	s10 =	sld [smem:$0x3FB7];
	_ =	sdelay $0x3  }
0x33: {  	p0 =	seq.s32 s10, $0x1;
	s10 =	sld [smem:$0x3FB9];
	_ =	sdelay $0x3  }
0x34: {  	[smem:$0x3FB9] =	sst s10  }
0x35: {  	s10 =	sld [smem:$0x3FB8];
	_ =	sdelay $0x3  }
0x36: {  	p1 =	seq.s32 s10, $0x1;
	s10 =	sld [smem:$0x3FB9];
	_ =	sdelay $0x3  }
0x37: {  	[smem:$0x3FB9] =	sst s10  }
0x38: {  	s10 =	sld [smem:$0x3FBA]  }
0x39: {  	_ = 	snop;
	(pc) =	sbr.ind lr, $3  }
0x3a: {  	_ = 	snop  }
0x3b: {  	_ = 	snop  }
0x3c: {  	p2 =	seq.s32 s10, $0x1;
	s10 =	sld [smem:$0x3FB9]  }
0x3d: {  	_ =	shalt  }
0x3e: {  	_ =	shalt  }
0x3f: {  	_ =	shalt  }
0x40: {  	_ =	shalt  }
0x41: {  	_ =	shalt  }
0x42: {  	_ =	shalt  }
0x43: {  	_ =	shalt  }
0x44: {  	_ =	shalt  }
0x45: {  	_ =	shalt  }
0x46: {  	_ =	shalt  }
0x47: {  	_ =	shalt  }
0x48: {  	_ =	shalt  }
0x49: {  	_ =	shalt  }
0x4a: {  	_ =	shalt  }
0x4b: {  	_ =	shalt  }
0x4c: {  	_ =	shalt  }
0x4d: {  	_ =	shalt  }
0x4e: {  	_ =	shalt  }
0x4f: {  	_ =	shalt  }
0x50: {  	_ =	shalt  }
0x51: {  	_ =	shalt  }
0x52: {  	_ =	shalt  }
0x53: {  	_ =	shalt  }
0x54: {  	_ =	shalt  }
0x55: {  	_ =	shalt  }
0x56: {  	_ =	shalt  }
0x57: {  	_ =	shalt  }
0x58: {  	_ =	shalt  }
0x59: {  	_ =	shalt  }
0x5a: {  	_ =	shalt  }
0x5b: {  	_ =	shalt  }
0x5c: {  	_ =	shalt  }
0x5d: {  	_ =	shalt  }
0x5e: {  	_ =	shalt  }
0x5f: {  	_ =	shalt  }
0x60: {  	_ =	shalt  }
0x61: {  	_ =	shalt  }
0x62: {  	_ =	shalt  }
0x63: {  	_ =	shalt  }
0x64: {  	_ =	shalt  }
0x65: {  	_ =	shalt  }
0x66: {  	_ =	shalt  }
0x67: {  	_ =	shalt  }
0x68: {  	_ =	shalt  }
0x69: {  	_ =	shalt  }
0x6a: {  	_ =	shalt  }
0x6b: {  	_ =	shalt  }
0x6c: {  	_ =	shalt  }
0x6d: {  	_ =	shalt  }
0x6e: {  	_ =	shalt  }
0x6f: {  	_ =	shalt  }
0x70: {  	_ =	shalt  }
0x71: {  	_ =	shalt  }
0x72: {  	_ =	shalt  }
0x73: {  	_ =	shalt  }
0x74: {  	_ =	shalt  }
0x75: {  	_ =	shalt  }
0x76: {  	_ =	shalt  }
0x77: {  	_ =	shalt  }
0x78: {  	_ =	shalt  }
0x79: {  	_ =	shalt  }
0x7a: {  	_ =	shalt  }
0x7b: {  	_ =	shalt  }
0x7c: {  	_ =	shalt  }
0x7d: {  	_ =	shalt  }
0x7e: {  	_ =	shalt  }
0x7f: {  	_ =	shalt  }
0x80: {  	_ =	shalt  }
0x81: {  	_ =	shalt  }
0x82: {  	_ =	shalt  }
0x83: {  	_ =	shalt  }
0x84: {  	_ =	shalt  }
0x85: {  	_ =	shalt  }
0x86: {  	_ =	shalt  }
0x87: {  	_ =	shalt  }
.Lfunc_end0:
.L_simem_size_0:
called_computation.1_lowered:
.L_overlay_start_0:
0x88: {  	s2 =	sld [smem:$0x3FD9]  }
0x89: {  	s3 =	sld [smem:$0x3FFE];
	_ =	sdelay $0x1  }
0x8a: {  	s1 =	srdreg.scid  }
0x8b: {  	s0 =	sand.u32 $0x1, s1  }
0x8c: {  	s17 =	sshll.u32 s0, $0xA;
	s2 =	sadd.s32 s3, s2  }
0x8d: {  	s2 =	sadd.s32 s2, s17  }
0x8e: {  	[smem:$0x3FC5] =	sst s2  }
0x8f: {  	_ = 	snop  }
0x90: {  	s2 =	sld [smem:$0x3FC8]  }
0x91: {  	s18 =	sld [smem:$0x3FD0];
	(tm) =	ssettm $0x1  }
0x92: {  	s4 =	sld [smem:$0x3FFB];
	_ =	sdelay $0x3  }
0x93: {  	_ =	strace s4  }
0x94: {  	s4 =	sld [smem:$0x3FFC];
	_ =	sdelay $0x3  }
0x95: {  	_ =	strace s4  }
0x96: {  	s4 =	sld [smem:$0x3FFD];
	_ =	sdelay $0x3  }
0x97: {  	_ =	strace s4  }
0x98: {  	_ =	strace $0x8FFFFFFF  }
0x99: {  	s19 =	sld [smem:$0x3FDB];
	_ =	sdelay $0x1  }
0x9a: {  	s5 =	simm.s32 $_scs_section_size  }
0x9b: {  	s6 =	simm.s32 $_size__tile_overlayer_lowered;
	s7 =	simm.s32 $_tile_overlayer_lowered  }
0x9c: {  	s22 =	simm.s32 $0x1BFF;
	s21 =	sshll.u32 s7, $0x1;
	s4 =	sadd.s32 s5, s19  }
0x9d: {  	s8 =	simm.s32 $0x0;
	s20 =	sshll.u32 s6, $0x1;
	s6 =	sadd.s32 s21, s4  }
0x9e: {  	[timem:s8], [sflag:s22] =	dma.local [hbm:s6], s20  }
0x9f: {  	_ =	swait.ge [sflag:s22], s20  }
0xa0: {  	s5 =	ssub.s32 $0x0, s20;
	[sflag:s22] =	ssyncset.done $0x0  }
0xa1: {  	[sflag:s22] =	ssyncadd.s32 s5;
	_ =	sdelay $0x1  }
0xa2: {  	s23 =	simm.s32 $0x1B8B  }
0xa3: {  	_ =	swait.ge [sflag:s23], $0x1  }
0xa4: {  	[sflag:s23] =	ssyncset.done $0x0  }
0xa5: {  	s25 =	simm.s32 $0x1B8E;
	s24 =	sld [smem:$0x3FFE];
	[sflag:s23] =	ssyncadd.s32 $0xFFFFFFFF  }
0xa6: {  	s26 =	simm.s32 $execute0_lowered;
	[smem:$0x3FD2] =	sst s25  }
0xa7: {  	s6 =	sshll.u32 s26, $0x1;
	_ =	strace $0x80000046;
	[dreg:$0x1] =	wrdreg $0xFFFFFFFF  }
0xa8: {  	s28 =	simm.s32 $_size_execute0_lowered;
	s4 =	sadd.s32 s4, s6;
	[dreg:$0x0] =	wrdreg $0x0  }
0xa9: {  	s6 =	sshll.u32 s28, $0x1;
	[dreg:$0x2] =	wrdreg s4  }
0xaa: {  	[dreg:$0x3] =	wrdreg s6  }
0xab: {  	[dreg:$0x4] =	wrdreg $0xC0  }
0xac: {  	_ =	task [dreg:s8], $0x5FFFF  }
0xad: {  	[dreg:$0x1] =	wrdreg $0xFFFFFFFF  }
0xae: {  	[dreg:$0x0] =	wrdreg $0x60  }
0xaf: {  	[dreg:$0x2] =	wrdreg s18  }
0xb0: {  	[dreg:$0x3] =	wrdreg s2  }
0xb1: {  	[dreg:$0x4] =	wrdreg s24  }
0xb2: {  	[dreg:$0x5] =	wrdreg $0x9  }
0xb3: {  	_ =	task.clear_ibuf [dreg:s8], $0x6FFFF;
	_ =	strace $0x90000046  }
0xb4: {  	s29 =	simm.s32 $0x9;
	_ =	strace $0x80000048  }
0xb5: {  	_ =	swait.ge [sflag:s29], $0x1  }
0xb6: {  	[sflag:s29] =	ssyncadd.s32 $0xFFFFFFFF  }
0xb7: {  	_ =	strace $0x90000048  }
0xb8: {  	_ =	sfence  }
0xb9: {  	s30 =	sld [smem:$0x0];
	_ =	sdelay $0x2  }
0xba: {  	s31 =	sshll.u32 s1, $0xD;
	s1 =	sshrl.u32 s1, $0x2  }
0xbb: {  	s3 =	sand.u32 $0x4000, s31;
	s1 =	sadd.s32 s1, s30  }
0xbc: {  	s0 =	sor.u32 s3, s0;
	s1 =	sshll.u32 s1, $0x11  }
0xbd: {  	s0 =	sor.u32 s1, s0  }
0xbe: {  	s0 =	sadd.s32 $0x8F2B, s0  }
0xbf: {  	[sflag:s0] =	ssyncadd.remote.s32 $0x1  }
0xc0: {  	_ =	sfence.sel $0xFFFF  }
0xc1: {  	[dreg:$0x0] =	wrdreg $0xFFFFFFFF;
	(pc) =	sbr.abs _section_cstart, $3  }
0xc2: {  	[dreg:$0x1] =	wrdreg $0xFFFFFFFF  }
0xc3: {  	_ =	task.clear_ibuf [dreg:s8], $0x2FFFF;
	_ =	strace $0x9FFFFFFF  }
0xc4: {  	(tm) =	ssettm $0x7FFFFFFF  }
0xc5: {  	_ =	shalt  }
tec
execute0_lowered:
.L_overlay_start_1:
0x0: {  	(tag) =	ssettag $0x1  }
0x1: {  	s10 =	rddreg [dreg:$0x0]  }
0x2: {  	s3 =	rddreg [dreg:$0x1]  }
0x3: {  	s0 =	rddreg [dreg:$0x2]  }
0x4: {  	s8 =	stileid.u32;
	s1 =	srdreg.scid;
	s4 =	simm.s32 $0x0  }
0x5: {  	s17 =	simm.s32 $0x180;
	s30 =	simm.s32 $0x4;
	s31 =	simm.s32 $0x5  }
0x6: {  	s14 =	simm.s32 $0x7;
	s18 =	simm.s32 $0x3;
	s28 =	simm.s32 $0x12180  }
0x7: {  	s29 =	simm.s32 $0x12980;
	s1 =	sand.u32 $0x1, s1;
	s5 =	smul.u32 $0x4D000, s8  }
0x8: {  	s2 =	sshll.u32 s8, $0x1;
	[smem:$0x7FF] =	sst s4;
	s8 =	smul.u32 $0x1340, s8  }
0x9: {  	s2 =	sor.u32 s1, s2;
	s20 =	ssub.s32 $0x2, s1;
	s9 =	smul.u32 $0x9A0, s1  }
0xa: {  	_ =	strace $0x80000047;
	s1 =	smul.u32 $0x26800, s1;
	s6 =	sshrl.u32 s20, $0x1  }
0xb: {  	s2 =	smul.u32 $0x9A0, s2;
	s0 =	sadd.s32 s5, s0;
	s5 =	ssub.s32 s20, s6  }
0xc: {  	s22 =	sadd.s32 s9, s8;
	s8 =	sadd.s32 $0x100, s3;
	s0 =	sadd.s32 s1, s0  }
0xd: {  	s1 =	simm.s32 $0x7180;
	s20 =	simm.s32 $0xE980;
	s6 =	simm.s32 $0x13180  }
0xe: {  	s9 =	simm.s32 $0x14180;
	s7 =	sadd.s32 $0x38, s2;
	s2 =	sshrl.u32 s2, $0x3  }
0xf: {  	s5 =	smax.u32 s5, $0x1;
	s23 =	sadd.s32 $0x118, s22;
	s24 =	sadd.s32 $0xE0, s22  }
0x10: {  	s11 =	sadd.s32 $0xA00, s0;
	s26 =	sadd.s32 $0xA8, s22;
	s22 =	simm.s32 $0xF980  }
0x11: {  	s7 =	sshrl.u32 s7, $0x3;
	s2 =	sadd.s32 s10, s2;
	[dreg:$0x7] =	wrdreg s5  }
0x12: {  	s5 =	sshrl.u32 s23, $0x3;
	s25 =	sshrl.u32 s24, $0x3;
	[dreg:$0xa] =	wrdreg s26  }
0x13: {  	s23 =	simm.s32 $0x10180;
	s24 =	simm.s32 $0x10980;
	s26 =	simm.s32 $0x11980  }
.Ltmp0:
0x14: {  	s21 =	sadd.s32 s10, s7;
	[dreg:$0x4] =	wrdreg s2;
	(pc) =	sbr.rel .LBB2_1-.Ltmp0, $4  }
0x15: {  	s2 =	sadd.s32 $0xE, s2;
	s5 =	sadd.s32 s5, s10;
	[dreg:$0x5] =	wrdreg s21  }
0x16: {  	v2 =	vlaneseq.u32;
	s0 =	sadd.s32 s25, s10;
	s25 =	simm.s32 $0x11180;
	[dreg:$0x6] =	wrdreg s2  }
0x17: {  	vm0 =	vmmov $0xffff;
	v1 =	vshrl.u32 v2, $0x3;
	s7 =	simm.s32 $0x13980;
	s10 =	simm.s32 $0x0;
	[dreg:$0x8] =	wrdreg s5  }
0x18: {  	v0 =	vand.u32 $0x7, v2;
	v2 =	vor.u32 $0x8, v2;
	v1 =	vmul.u32 $0x8, v1;
	[dreg:$0x9] =	wrdreg s0;
	s21 =	simm.s32 $0xF180;
	s5 =	simm.s32 $0x14980  }
.LBB2_5:
0x19: {  	s2 =	simm.s32 $0x8  }
0x1a: {  	_ =	swait.ge [sflag:s2], $0x7000  }
0x1b: {  	s10 =	rddreg [dreg:$0xb]  }
0x1c: {  	s0 =	rddreg [dreg:$0x7];
	s10 =	sadd.s32 $0x1, s10  }
0x1d: {  	p0 =	sne.s32 s10, s0  }
.Ltmp1:
0x1e: {  	_ = 	snop;
	(pc) =	sbr.rel @!p0 .LBB2_6-.Ltmp1, $3  }
0x1f: {  	_ =	sdelay $0x1  }
0x20: {  	[sflag:s2] =	ssyncset.done $0x0  }
0x21: {  	[sflag:s2] =	ssyncadd.s32 $0xFFFF9000  }
.LBB2_1:
0x22: {  	[dreg:$0xb] =	wrdreg s10  }
0x23: {  	s0 =	rddreg [dreg:$0x4]  }
0x24: {  	[tilespmem:s4], [sflag:$0x1] =	stream.linear.gather [hbm4b:s0+s4], $0x38, $0x38;
	[tilespmem:$0x15180] =	vst v63  }
0x25: {  	s15 =	rddreg [dreg:$0x5];
	s2 =	simm.s32 $0x80  }
0x26: {  	[tilespmem:s2], [sflag:$0x2] =	stream.linear.gather [hbm4b:s15+s4], $0x38, $0x38;
	[tilespmem:$0x15180] =	vst v63  }
0x27: {  	s16 =	rddreg [dreg:$0x6];
	s19 =	simm.s32 $0x100;
	s2 =	simm.s32 $0x1  }
0x28: {  	[tilespmem:s19], [sflag:$0x3] =	stream.linear.gather [hbm4b:s16+s4], $0x38, $0x38;
	[tilespmem:$0x15180] =	vst v63  }
0x29: {  	_ =	swait.ge [sflag:s2], $0x38  }
0x2a: {  	[sflag:s2] =	ssyncset.done $0x0  }
0x2b: {  	[sflag:s2] =	ssyncadd.s32 $0xFFFFFFC8  }
0x2c: {  	v3 =	vld [tilespmem:$0x0];
	_ =	sdelay $0x4  }
0x2d: {  	v4 =	vshll.u32 v3, $0x2  }
0x2e: {  	v3 =	vand.u32 $0x7, v3;
	v4 =	vand.u32 $0xFFFFFFE0, v4  }
0x2f: {  	v3 =	vor.u32 v3, v4  }
0x30: {  	v4 =	vperm.xlane v3, v0;
	_ =	sdelay $0x1  }
0x31: {  	v4 =	vadd.s32 v1, v4;
	_ =	sdelay $0x1  }
0x32: {  	v3 =	vperm.xlane v3, v2;
	_ =	sdelay $0x1  }
0x33: {  	v3 =	vadd.s32 v1, v3  }
0x34: {  	[tilespmem:s17], [sflag:$0x4] =	stream.indirect_vreg.gather [hbm4b:s3+s4], $0x80, v4, vm0, $0xb8;
	[tilespmem:$0x15180] =	vst v63  }
0x35: {  	s10 =	simm.s32 $0x980  }
0x36: {  	[tilespmem:s10], [sflag:$0x4] =	stream.indirect_vreg.gather [hbm4b:s8+s4], $0x80, v4, vm0, $0xb8;
	[tilespmem:$0x15180] =	vst v63  }
0x37: {  	s12 =	simm.s32 $0x1180  }
0x38: {  	[tilespmem:s12], [sflag:$0x4] =	stream.indirect_vreg.gather [hbm4b:s3+s4], $0x80, v3, vm0, $0xb8;
	[tilespmem:$0x15180] =	vst v63  }
0x39: {  	s13 =	simm.s32 $0x1980  }
0x3a: {  	[tilespmem:s13], [sflag:$0x4] =	stream.indirect_vreg.gather [hbm4b:s8+s4], $0x80, v3, vm0, $0xb8;
	[tilespmem:$0x15180] =	vst v63  }
0x3b: {  	v3 =	vld [tilespmem:$0x10];
	_ =	sdelay $0x4  }
0x3c: {  	v57 =	vshll.u32 v3, $0x2  }
0x3d: {  	v3 =	vand.u32 $0x7, v3;
	v4 =	vand.u32 $0xFFFFFFE0, v57  }
0x3e: {  	v3 =	vor.u32 v3, v4  }
0x3f: {  	v4 =	vperm.xlane v3, v0;
	_ =	sdelay $0x1  }
0x40: {  	v4 =	vadd.s32 v1, v4;
	_ =	sdelay $0x1  }
0x41: {  	v3 =	vperm.xlane v3, v2;
	_ =	sdelay $0x1  }
0x42: {  	s15 =	simm.s32 $0x2180;
	v3 =	vadd.s32 v1, v3  }
0x43: {  	[tilespmem:s15], [sflag:$0x4] =	stream.indirect_vreg.gather [hbm4b:s3+s4], $0x80, v4, vm0, $0xb8;
	[tilespmem:$0x15180] =	vst v63  }
0x44: {  	s16 =	simm.s32 $0x2980  }
0x45: {  	[tilespmem:s16], [sflag:$0x4] =	stream.indirect_vreg.gather [hbm4b:s8+s4], $0x80, v4, vm0, $0xb8;
	[tilespmem:$0x15180] =	vst v63  }
0x46: {  	s19 =	simm.s32 $0x3180  }
0x47: {  	[tilespmem:s19], [sflag:$0x4] =	stream.indirect_vreg.gather [hbm4b:s3+s4], $0x80, v3, vm0, $0xb8;
	[tilespmem:$0x15180] =	vst v63  }
0x48: {  	s2 =	simm.s32 $0x3980  }
0x49: {  	[tilespmem:s2], [sflag:$0x4] =	stream.indirect_vreg.gather [hbm4b:s8+s4], $0x80, v3, vm0, $0xb8;
	[tilespmem:$0x15180] =	vst v63  }
0x4a: {  	v3 =	vld [tilespmem:$0x20];
	_ =	sdelay $0x4  }
0x4b: {  	v58 =	vshll.u32 v3, $0x2  }
0x4c: {  	v3 =	vand.u32 $0x7, v3;
	v4 =	vand.u32 $0xFFFFFFE0, v58  }
0x4d: {  	v3 =	vor.u32 v3, v4  }
0x4e: {  	v4 =	vperm.xlane v3, v0;
	_ =	sdelay $0x1  }
0x4f: {  	v4 =	vadd.s32 v1, v4;
	_ =	sdelay $0x1  }
0x50: {  	v3 =	vperm.xlane v3, v2;
	_ =	sdelay $0x1  }
0x51: {  	s10 =	simm.s32 $0x4180;
	v3 =	vadd.s32 v1, v3  }
0x52: {  	[tilespmem:s10], [sflag:$0x4] =	stream.indirect_vreg.gather [hbm4b:s3+s4], $0x80, v4, vm0, $0xb8;
	[tilespmem:$0x15180] =	vst v63  }
0x53: {  	s12 =	simm.s32 $0x4980  }
0x54: {  	[tilespmem:s12], [sflag:$0x4] =	stream.indirect_vreg.gather [hbm4b:s8+s4], $0x80, v4, vm0, $0xb8;
	[tilespmem:$0x15180] =	vst v63  }
0x55: {  	s13 =	simm.s32 $0x5180  }
0x56: {  	[tilespmem:s13], [sflag:$0x4] =	stream.indirect_vreg.gather [hbm4b:s3+s4], $0x80, v3, vm0, $0xb8;
	[tilespmem:$0x15180] =	vst v63  }
0x57: {  	s15 =	simm.s32 $0x5980  }
0x58: {  	[tilespmem:s15], [sflag:$0x4] =	stream.indirect_vreg.gather [hbm4b:s8+s4], $0x80, v3, vm0, $0xb8;
	[tilespmem:$0x15180] =	vst v63  }
0x59: {  	v3 =	vld.msk [tilespmem:$0x30], $0xff;
	_ =	sdelay $0x4  }
0x5a: {  	v59 =	vshll.u32 v3, $0x2  }
0x5b: {  	v3 =	vand.u32 $0x7, v3;
	v4 =	vand.u32 $0xFFFFFFE0, v59  }
0x5c: {  	v3 =	vor.u32 v3, v4  }
0x5d: {  	v3 =	vperm.xlane v3, v0;
	_ =	sdelay $0x1  }
0x5e: {  	v3 =	vadd.s32 v1, v3;
	_ =	sdelay $0x3  }
0x5f: {  	s16 =	simm.s32 $0x6180  }
0x60: {  	[tilespmem:s16], [sflag:$0x4] =	stream.indirect_vreg.gather [hbm4b:s3+s4], $0x80, v3, vm0, $0xb8;
	[tilespmem:$0x15180] =	vst v63  }
0x61: {  	s19 =	simm.s32 $0x6980;
	s2 =	simm.s32 $0x2  }
0x62: {  	[tilespmem:s19], [sflag:$0x4] =	stream.indirect_vreg.gather [hbm4b:s8+s4], $0x80, v3, vm0, $0xb8;
	[tilespmem:$0x15180] =	vst v63  }
0x63: {  	_ =	swait.ge [sflag:s2], $0x38  }
0x64: {  	[sflag:s2] =	ssyncset.done $0x0  }
0x65: {  	[sflag:s2] =	ssyncadd.s32 $0xFFFFFFC8  }
0x66: {  	v3 =	vld [tilespmem:$0x80];
	_ =	sdelay $0x4  }
0x67: {  	v60 =	vshll.u32 v3, $0x2  }
0x68: {  	v3 =	vand.u32 $0x7, v3;
	v4 =	vand.u32 $0xFFFFFFE0, v60  }
0x69: {  	v3 =	vor.u32 v3, v4  }
0x6a: {  	v4 =	vperm.xlane v3, v0;
	_ =	sdelay $0x1  }
0x6b: {  	v4 =	vadd.s32 v1, v4;
	_ =	sdelay $0x1  }
0x6c: {  	v3 =	vperm.xlane v3, v2;
	_ =	sdelay $0x1  }
0x6d: {  	v3 =	vadd.s32 v1, v3  }
0x6e: {  	[tilespmem:s1], [sflag:$0x5] =	stream.indirect_vreg.gather [hbm4b:s3+s4], $0x80, v4, vm0, $0xb8;
	[tilespmem:$0x15180] =	vst v63  }
0x6f: {  	s10 =	simm.s32 $0x7980  }
0x70: {  	[tilespmem:s10], [sflag:$0x5] =	stream.indirect_vreg.gather [hbm4b:s8+s4], $0x80, v4, vm0, $0xb8;
	[tilespmem:$0x15180] =	vst v63  }
0x71: {  	s12 =	simm.s32 $0x8180  }
0x72: {  	[tilespmem:s12], [sflag:$0x5] =	stream.indirect_vreg.gather [hbm4b:s3+s4], $0x80, v3, vm0, $0xb8;
	[tilespmem:$0x15180] =	vst v63  }
0x73: {  	s13 =	simm.s32 $0x8980  }
0x74: {  	[tilespmem:s13], [sflag:$0x5] =	stream.indirect_vreg.gather [hbm4b:s8+s4], $0x80, v3, vm0, $0xb8;
	[tilespmem:$0x15180] =	vst v63  }
0x75: {  	v3 =	vld [tilespmem:$0x90];
	_ =	sdelay $0x4  }
0x76: {  	v61 =	vshll.u32 v3, $0x2  }
0x77: {  	v3 =	vand.u32 $0x7, v3;
	v4 =	vand.u32 $0xFFFFFFE0, v61  }
0x78: {  	v3 =	vor.u32 v3, v4  }
0x79: {  	v4 =	vperm.xlane v3, v0;
	_ =	sdelay $0x1  }
0x7a: {  	v4 =	vadd.s32 v1, v4;
	_ =	sdelay $0x1  }
0x7b: {  	v3 =	vperm.xlane v3, v2;
	_ =	sdelay $0x1  }
0x7c: {  	s15 =	simm.s32 $0x9180;
	v3 =	vadd.s32 v1, v3  }
0x7d: {  	[tilespmem:s15], [sflag:$0x5] =	stream.indirect_vreg.gather [hbm4b:s3+s4], $0x80, v4, vm0, $0xb8;
	[tilespmem:$0x15180] =	vst v63  }
0x7e: {  	s16 =	simm.s32 $0x9980  }
0x7f: {  	[tilespmem:s16], [sflag:$0x5] =	stream.indirect_vreg.gather [hbm4b:s8+s4], $0x80, v4, vm0, $0xb8;
	[tilespmem:$0x15180] =	vst v63  }
0x80: {  	s19 =	simm.s32 $0xA180  }
0x81: {  	[tilespmem:s19], [sflag:$0x5] =	stream.indirect_vreg.gather [hbm4b:s3+s4], $0x80, v3, vm0, $0xb8;
	[tilespmem:$0x15180] =	vst v63  }
0x82: {  	s2 =	simm.s32 $0xA980  }
0x83: {  	[tilespmem:s2], [sflag:$0x5] =	stream.indirect_vreg.gather [hbm4b:s8+s4], $0x80, v3, vm0, $0xb8;
	[tilespmem:$0x15180] =	vst v63  }
0x84: {  	v3 =	vld [tilespmem:$0xA0];
	_ =	sdelay $0x4  }
0x85: {  	v62 =	vshll.u32 v3, $0x2  }
0x86: {  	v3 =	vand.u32 $0x7, v3;
	v4 =	vand.u32 $0xFFFFFFE0, v62  }
0x87: {  	v3 =	vor.u32 v3, v4  }
0x88: {  	v4 =	vperm.xlane v3, v0;
	_ =	sdelay $0x1  }
0x89: {  	v4 =	vadd.s32 v1, v4;
	_ =	sdelay $0x1  }
0x8a: {  	v3 =	vperm.xlane v3, v2;
	_ =	sdelay $0x1  }
0x8b: {  	s10 =	simm.s32 $0xB180;
	v3 =	vadd.s32 v1, v3  }
0x8c: {  	[tilespmem:s10], [sflag:$0x5] =	stream.indirect_vreg.gather [hbm4b:s3+s4], $0x80, v4, vm0, $0xb8;
	[tilespmem:$0x15180] =	vst v63  }
0x8d: {  	s12 =	simm.s32 $0xB980  }
0x8e: {  	[tilespmem:s12], [sflag:$0x5] =	stream.indirect_vreg.gather [hbm4b:s8+s4], $0x80, v4, vm0, $0xb8;
	[tilespmem:$0x15180] =	vst v63  }
0x8f: {  	s13 =	simm.s32 $0xC180  }
0x90: {  	[tilespmem:s13], [sflag:$0x5] =	stream.indirect_vreg.gather [hbm4b:s3+s4], $0x80, v3, vm0, $0xb8;
	[tilespmem:$0x15180] =	vst v63  }
0x91: {  	s15 =	simm.s32 $0xC980  }
0x92: {  	[tilespmem:s15], [sflag:$0x5] =	stream.indirect_vreg.gather [hbm4b:s8+s4], $0x80, v3, vm0, $0xb8;
	[tilespmem:$0x15180] =	vst v63  }
0x93: {  	v3 =	vld.msk [tilespmem:$0xB0], $0xff;
	_ =	sdelay $0x4  }
0x94: {  	v63 =	vshll.u32 v3, $0x2  }
0x95: {  	v3 =	vand.u32 $0x7, v3;
	v4 =	vand.u32 $0xFFFFFFE0, v63  }
0x96: {  	v3 =	vor.u32 v3, v4  }
0x97: {  	v3 =	vperm.xlane v3, v0;
	_ =	sdelay $0x1  }
0x98: {  	v3 =	vadd.s32 v1, v3;
	_ =	sdelay $0x2  }
.Ltmp2:
0x99: {  	s12 =	rddreg [dreg:$0x9];
	(pc) =	sbr.rel .LBB2_2-.Ltmp2, $4  }
0x9a: {  	s0 =	simm.s32 $0x0;
	s16 =	simm.s32 $0xD180;
	s13 =	rddreg [dreg:$0xa]  }
0x9b: {  	[tilespmem:s16], [sflag:$0x5] =	stream.indirect_vreg.gather [hbm4b:s3+s4], $0x80, v3, vm0, $0xb8;
	[tilespmem:$0x15180] =	vst v63  }
0x9c: {  	s19 =	simm.s32 $0xD980;
	s15 =	simm.s32 $0x0;
	s16 =	rddreg [dreg:$0x8]  }
0x9d: {  	[tilespmem:s19], [sflag:$0x5] =	stream.indirect_vreg.gather [hbm4b:s8+s4], $0x80, v3, vm0, $0xb8;
	[tilespmem:$0x15180] =	vst v63  }
.LBB2_4:
0x9e: {  	_ =	swait.ge [sflag:s31], $0x7000  }
0x9f: {  	[sflag:s31] =	ssyncset.done $0x0  }
0xa0: {  	s2 =	sadd.s32 $0xE00, s2;
	[sflag:s31] =	ssyncadd.s32 $0xFFFF9000  }
0xa1: {  	[hbm4b:s2+s4] =	stream.linear.scatter [tilespmem:s1], [sflag:$0x8], $0x7000, $0x38;
	[tilespmem:$0x15180] =	vst v63  }
0xa2: {  	_ =	swait.ge [sflag:s14], $0x7000  }
0xa3: {  	p0 =	seq.s32 s0, $0x24C00;
	[sflag:s14] =	ssyncset.done $0x0  }
0xa4: {  	s10 =	simm.s32 @!p0 $0x80;
	s2 =	simm.s32 @!p0 $0x0;
	[sflag:s14] =	ssyncadd.s32 $0xFFFF9000  }
0xa5: {  	[tilespmem:s10], [sflag:$0x2] =	stream.linear.gather @!p0 [hbm4b:s12+s2], $0x38, $0x38;
	[tilespmem:$0x15180] =	vst v63  }
0xa6: {  	s10 =	simm.s32 @!p0 $0x1  }
0xa7: {  	_ =	swait.ge @!p0 [sflag:s10], $0x38  }
0xa8: {  	[sflag:s10] =	ssyncset.done @!p0 $0x0  }
0xa9: {  	[sflag:s10] =	ssyncadd.s32 @!p0 $0xFFFFFFC8  }
0xaa: {  	v3 =	vld @!p0 [tilespmem:$0x0];
	_ =	sdelay $0x4  }
0xab: {  	v4 =	vshll.u32 @!p0 v3, $0x2  }
0xac: {  	v5 =	vlaneseq.u32 @!p0;
	v3 =	vand.u32 @!p0 $0x7, v3;
	v4 =	vand.u32 @!p0 $0xFFFFFFE0, v4  }
0xad: {  	v6 =	vor.u32 @!p0 v3, v4;
	v3 =	vand.u32 @!p0 $0x7, v5;
	v4 =	vshrl.u32 @!p0 v5, $0x3  }
0xae: {  	v7 =	vperm.xlane @!p0 v6, v3;
	v4 =	vmul.u32 @!p0 $0x8, v4;
	_ =	sdelay $0x1  }
0xaf: {  	v7 =	vadd.s32 @!p0 v4, v7  }
0xb0: {  	v5 =	vor.u32 @!p0 $0x8, v5  }
0xb1: {  	v6 =	vperm.xlane @!p0 v6, v5;
	_ =	sdelay $0x1  }
0xb2: {  	vm1 =	vmmov @!p0 $0xffff;
	s10 =	simm.s32 @!p0 $0x180;
	v6 =	vadd.s32 @!p0 v4, v6  }
0xb3: {  	[tilespmem:s10], [sflag:$0x4] =	stream.indirect_vreg.gather @!p0 [hbm4b:s3+s2], $0x80, v7, vm1, $0xb8;
	[tilespmem:$0x15180] =	vst v63  }
0xb4: {  	s10 =	simm.s32 @!p0 $0x980  }
0xb5: {  	[tilespmem:s10], [sflag:$0x4] =	stream.indirect_vreg.gather @!p0 [hbm4b:s8+s2], $0x80, v7, vm1, $0xb8;
	[tilespmem:$0x15180] =	vst v63  }
0xb6: {  	s10 =	simm.s32 @!p0 $0x1180  }
0xb7: {  	[tilespmem:s10], [sflag:$0x4] =	stream.indirect_vreg.gather @!p0 [hbm4b:s3+s2], $0x80, v6, vm1, $0xb8;
	[tilespmem:$0x15180] =	vst v63  }
0xb8: {  	s10 =	simm.s32 @!p0 $0x1980  }
0xb9: {  	[tilespmem:s10], [sflag:$0x4] =	stream.indirect_vreg.gather @!p0 [hbm4b:s8+s2], $0x80, v6, vm1, $0xb8;
	[tilespmem:$0x15180] =	vst v63  }
0xba: {  	v6 =	vld @!p0 [tilespmem:$0x10];
	_ =	sdelay $0x4  }
0xbb: {  	v7 =	vshll.u32 @!p0 v6, $0x2  }
0xbc: {  	v6 =	vand.u32 @!p0 $0x7, v6;
	v7 =	vand.u32 @!p0 $0xFFFFFFE0, v7  }
0xbd: {  	v6 =	vor.u32 @!p0 v6, v7  }
0xbe: {  	v7 =	vperm.xlane @!p0 v6, v3;
	_ =	sdelay $0x1  }
0xbf: {  	v7 =	vadd.s32 @!p0 v4, v7;
	_ =	sdelay $0x1  }
0xc0: {  	v6 =	vperm.xlane @!p0 v6, v5;
	_ =	sdelay $0x1  }
0xc1: {  	s10 =	simm.s32 @!p0 $0x2180;
	v6 =	vadd.s32 @!p0 v4, v6  }
0xc2: {  	[tilespmem:s10], [sflag:$0x4] =	stream.indirect_vreg.gather @!p0 [hbm4b:s3+s2], $0x80, v7, vm1, $0xb8;
	[tilespmem:$0x15180] =	vst v63  }
0xc3: {  	s10 =	simm.s32 @!p0 $0x2980  }
0xc4: {  	[tilespmem:s10], [sflag:$0x4] =	stream.indirect_vreg.gather @!p0 [hbm4b:s8+s2], $0x80, v7, vm1, $0xb8;
	[tilespmem:$0x15180] =	vst v63  }
0xc5: {  	s10 =	simm.s32 @!p0 $0x3180  }
0xc6: {  	[tilespmem:s10], [sflag:$0x4] =	stream.indirect_vreg.gather @!p0 [hbm4b:s3+s2], $0x80, v6, vm1, $0xb8;
	[tilespmem:$0x15180] =	vst v63  }
0xc7: {  	s10 =	simm.s32 @!p0 $0x3980  }
0xc8: {  	[tilespmem:s10], [sflag:$0x4] =	stream.indirect_vreg.gather @!p0 [hbm4b:s8+s2], $0x80, v6, vm1, $0xb8;
	[tilespmem:$0x15180] =	vst v63  }
0xc9: {  	v6 =	vld @!p0 [tilespmem:$0x20];
	_ =	sdelay $0x4  }
0xca: {  	v7 =	vshll.u32 @!p0 v6, $0x2  }
0xcb: {  	v6 =	vand.u32 @!p0 $0x7, v6;
	v7 =	vand.u32 @!p0 $0xFFFFFFE0, v7  }
0xcc: {  	v6 =	vor.u32 @!p0 v6, v7  }
0xcd: {  	v7 =	vperm.xlane @!p0 v6, v3;
	_ =	sdelay $0x1  }
0xce: {  	v7 =	vadd.s32 @!p0 v4, v7;
	_ =	sdelay $0x1  }
0xcf: {  	v6 =	vperm.xlane @!p0 v6, v5;
	_ =	sdelay $0x1  }
0xd0: {  	s10 =	simm.s32 @!p0 $0x4180;
	v6 =	vadd.s32 @!p0 v4, v6  }
0xd1: {  	[tilespmem:s10], [sflag:$0x4] =	stream.indirect_vreg.gather @!p0 [hbm4b:s3+s2], $0x80, v7, vm1, $0xb8;
	[tilespmem:$0x15180] =	vst v63  }
0xd2: {  	s10 =	simm.s32 @!p0 $0x4980  }
0xd3: {  	[tilespmem:s10], [sflag:$0x4] =	stream.indirect_vreg.gather @!p0 [hbm4b:s8+s2], $0x80, v7, vm1, $0xb8;
	[tilespmem:$0x15180] =	vst v63  }
0xd4: {  	s10 =	simm.s32 @!p0 $0x5180  }
0xd5: {  	[tilespmem:s10], [sflag:$0x4] =	stream.indirect_vreg.gather @!p0 [hbm4b:s3+s2], $0x80, v6, vm1, $0xb8;
	[tilespmem:$0x15180] =	vst v63  }
0xd6: {  	s10 =	simm.s32 @!p0 $0x5980  }
0xd7: {  	[tilespmem:s10], [sflag:$0x4] =	stream.indirect_vreg.gather @!p0 [hbm4b:s8+s2], $0x80, v6, vm1, $0xb8;
	[tilespmem:$0x15180] =	vst v63  }
0xd8: {  	v6 =	vld.msk @!p0 [tilespmem:$0x30], $0xff;
	_ =	sdelay $0x4  }
0xd9: {  	v7 =	vshll.u32 @!p0 v6, $0x2  }
0xda: {  	v6 =	vand.u32 @!p0 $0x7, v6;
	v7 =	vand.u32 @!p0 $0xFFFFFFE0, v7  }
0xdb: {  	v6 =	vor.u32 @!p0 v6, v7  }
0xdc: {  	v6 =	vperm.xlane @!p0 v6, v3;
	_ =	sdelay $0x1  }
0xdd: {  	v6 =	vadd.s32 @!p0 v4, v6;
	_ =	sdelay $0x3  }
0xde: {  	s10 =	simm.s32 @!p0 $0x6180  }
0xdf: {  	[tilespmem:s10], [sflag:$0x4] =	stream.indirect_vreg.gather @!p0 [hbm4b:s3+s2], $0x80, v6, vm1, $0xb8;
	[tilespmem:$0x15180] =	vst v63  }
0xe0: {  	s10 =	simm.s32 @!p0 $0x6980  }
0xe1: {  	[tilespmem:s10], [sflag:$0x4] =	stream.indirect_vreg.gather @!p0 [hbm4b:s8+s2], $0x80, v6, vm1, $0xb8;
	[tilespmem:$0x15180] =	vst v63  }
0xe2: {  	s10 =	simm.s32 @!p0 $0x6  }
0xe3: {  	_ =	swait.ge @!p0 [sflag:s10], $0x7000  }
0xe4: {  	s19 =	sadd.s32 @!p0 s0, s11;
	[sflag:s10] =	ssyncset.done @!p0 $0x0  }
0xe5: {  	[sflag:s10] =	ssyncadd.s32 @!p0 $0xFFFF9000;
	s10 =	sadd.s32 @!p0 $0x1C00, s19;
	s19 =	simm.s32 @!p0 $0xE180  }
0xe6: {  	[hbm4b:s10+s2] =	stream.linear.scatter @!p0 [tilespmem:s19], [sflag:$0x9], $0x7000, $0x38;
	[tilespmem:$0x15180] =	vst v63  }
0xe7: {  	s10 =	simm.s32 @!p0 $0x8  }
0xe8: {  	p1 =	sgt.u32 @!p0 s15, $0xC;
	_ =	swait.ge @!p0 [sflag:s10], $0x7000  }
0xe9: {  	p1 =	por p1, p0;
	[sflag:s10] =	ssyncset.done @!p0 $0x0  }
0xea: {  	s19 =	simm.s32 @!p1 $0x100;
	[sflag:s10] =	ssyncadd.s32 @!p0 $0xFFFF9000;
	s10 =	simm.s32 @!p1 $0x0  }
0xeb: {  	[tilespmem:s19], [sflag:$0x3] =	stream.linear.gather @!p1 [hbm4b:s16+s10], $0x38, $0x38;
	[tilespmem:$0x15180] =	vst v63  }
0xec: {  	s10 =	simm.s32 @!p0 $0x2  }
0xed: {  	_ =	swait.ge @!p0 [sflag:s10], $0x38  }
0xee: {  	[sflag:s10] =	ssyncset.done @!p0 $0x0  }
0xef: {  	[sflag:s10] =	ssyncadd.s32 @!p0 $0xFFFFFFC8  }
0xf0: {  	v6 =	vld @!p0 [tilespmem:$0x80];
	_ =	sdelay $0x4  }
0xf1: {  	v7 =	vshll.u32 @!p0 v6, $0x2  }
0xf2: {  	v6 =	vand.u32 @!p0 $0x7, v6;
	v7 =	vand.u32 @!p0 $0xFFFFFFE0, v7  }
0xf3: {  	v6 =	vor.u32 @!p0 v6, v7  }
0xf4: {  	v7 =	vperm.xlane @!p0 v6, v3;
	_ =	sdelay $0x1  }
0xf5: {  	v7 =	vadd.s32 @!p0 v4, v7;
	_ =	sdelay $0x1  }
0xf6: {  	v6 =	vperm.xlane @!p0 v6, v5;
	_ =	sdelay $0x1  }
0xf7: {  	s10 =	simm.s32 @!p0 $0x7180;
	v6 =	vadd.s32 @!p0 v4, v6  }
0xf8: {  	[tilespmem:s10], [sflag:$0x5] =	stream.indirect_vreg.gather @!p0 [hbm4b:s3+s2], $0x80, v7, vm1, $0xb8;
	[tilespmem:$0x15180] =	vst v63  }
0xf9: {  	s10 =	simm.s32 @!p0 $0x7980  }
0xfa: {  	[tilespmem:s10], [sflag:$0x5] =	stream.indirect_vreg.gather @!p0 [hbm4b:s8+s2], $0x80, v7, vm1, $0xb8;
	[tilespmem:$0x15180] =	vst v63  }
0xfb: {  	s10 =	simm.s32 @!p0 $0x8180  }
0xfc: {  	[tilespmem:s10], [sflag:$0x5] =	stream.indirect_vreg.gather @!p0 [hbm4b:s3+s2], $0x80, v6, vm1, $0xb8;
	[tilespmem:$0x15180] =	vst v63  }
0xfd: {  	s10 =	simm.s32 @!p0 $0x8980  }
0xfe: {  	[tilespmem:s10], [sflag:$0x5] =	stream.indirect_vreg.gather @!p0 [hbm4b:s8+s2], $0x80, v6, vm1, $0xb8;
	[tilespmem:$0x15180] =	vst v63  }
0xff: {  	v6 =	vld @!p0 [tilespmem:$0x90];
	_ =	sdelay $0x4  }
0x100: {  	v7 =	vshll.u32 @!p0 v6, $0x2  }
0x101: {  	v6 =	vand.u32 @!p0 $0x7, v6;
	v7 =	vand.u32 @!p0 $0xFFFFFFE0, v7  }
0x102: {  	v6 =	vor.u32 @!p0 v6, v7  }
0x103: {  	v7 =	vperm.xlane @!p0 v6, v3;
	_ =	sdelay $0x1  }
0x104: {  	v7 =	vadd.s32 @!p0 v4, v7;
	_ =	sdelay $0x1  }
0x105: {  	v6 =	vperm.xlane @!p0 v6, v5;
	_ =	sdelay $0x1  }
0x106: {  	s10 =	simm.s32 @!p0 $0x9180;
	v6 =	vadd.s32 @!p0 v4, v6  }
0x107: {  	[tilespmem:s10], [sflag:$0x5] =	stream.indirect_vreg.gather @!p0 [hbm4b:s3+s2], $0x80, v7, vm1, $0xb8;
	[tilespmem:$0x15180] =	vst v63  }
0x108: {  	s10 =	simm.s32 @!p0 $0x9980  }
0x109: {  	[tilespmem:s10], [sflag:$0x5] =	stream.indirect_vreg.gather @!p0 [hbm4b:s8+s2], $0x80, v7, vm1, $0xb8;
	[tilespmem:$0x15180] =	vst v63  }
0x10a: {  	s10 =	simm.s32 @!p0 $0xA180  }
0x10b: {  	[tilespmem:s10], [sflag:$0x5] =	stream.indirect_vreg.gather @!p0 [hbm4b:s3+s2], $0x80, v6, vm1, $0xb8;
	[tilespmem:$0x15180] =	vst v63  }
0x10c: {  	s10 =	simm.s32 @!p0 $0xA980  }
0x10d: {  	[tilespmem:s10], [sflag:$0x5] =	stream.indirect_vreg.gather @!p0 [hbm4b:s8+s2], $0x80, v6, vm1, $0xb8;
	[tilespmem:$0x15180] =	vst v63  }
0x10e: {  	v6 =	vld @!p0 [tilespmem:$0xA0];
	_ =	sdelay $0x4  }
0x10f: {  	v7 =	vshll.u32 @!p0 v6, $0x2  }
0x110: {  	v6 =	vand.u32 @!p0 $0x7, v6;
	v7 =	vand.u32 @!p0 $0xFFFFFFE0, v7  }
0x111: {  	v6 =	vor.u32 @!p0 v6, v7  }
0x112: {  	v7 =	vperm.xlane @!p0 v6, v3;
	_ =	sdelay $0x1  }
0x113: {  	v7 =	vadd.s32 @!p0 v4, v7;
	_ =	sdelay $0x1  }
0x114: {  	v5 =	vperm.xlane @!p0 v6, v5;
	_ =	sdelay $0x1  }
0x115: {  	s10 =	simm.s32 @!p0 $0xB180;
	v5 =	vadd.s32 @!p0 v4, v5  }
0x116: {  	[tilespmem:s10], [sflag:$0x5] =	stream.indirect_vreg.gather @!p0 [hbm4b:s3+s2], $0x80, v7, vm1, $0xb8;
	[tilespmem:$0x15180] =	vst v63  }
0x117: {  	s10 =	simm.s32 @!p0 $0xB980  }
0x118: {  	[tilespmem:s10], [sflag:$0x5] =	stream.indirect_vreg.gather @!p0 [hbm4b:s8+s2], $0x80, v7, vm1, $0xb8;
	[tilespmem:$0x15180] =	vst v63  }
0x119: {  	s10 =	simm.s32 @!p0 $0xC180  }
0x11a: {  	[tilespmem:s10], [sflag:$0x5] =	stream.indirect_vreg.gather @!p0 [hbm4b:s3+s2], $0x80, v5, vm1, $0xb8;
	[tilespmem:$0x15180] =	vst v63  }
0x11b: {  	s10 =	simm.s32 @!p0 $0xC980  }
0x11c: {  	[tilespmem:s10], [sflag:$0x5] =	stream.indirect_vreg.gather @!p0 [hbm4b:s8+s2], $0x80, v5, vm1, $0xb8;
	[tilespmem:$0x15180] =	vst v63  }
0x11d: {  	v5 =	vld.msk @!p0 [tilespmem:$0xB0], $0xff;
	_ =	sdelay $0x4  }
0x11e: {  	v6 =	vshll.u32 @!p0 v5, $0x2  }
0x11f: {  	v5 =	vand.u32 @!p0 $0x7, v5;
	v6 =	vand.u32 @!p0 $0xFFFFFFE0, v6  }
0x120: {  	v5 =	vor.u32 @!p0 v5, v6  }
0x121: {  	v3 =	vperm.xlane @!p0 v5, v3;
	_ =	sdelay $0x1  }
0x122: {  	s0 =	sadd.s32 @!p0 $0x2A00, s0;
	v3 =	vadd.s32 @!p0 v4, v3  }
0x123: {  	p1 =	sne.s32 @!p0 s0, $0x27600  }
0x124: {  	p1 =	por p0, !p1  }
.Ltmp3:
0x125: {  	_ = 	snop;
	(pc) =	sbr.rel @p1 .LBB2_5-.Ltmp3, $4  }
0x126: {  	s15 =	sadd.s32 @!p0 $0x1, s15;
	s13 =	sadd.s32 @!p0 $0xA8, s13;
	s10 =	simm.s32 @!p0 $0xD180  }
0x127: {  	[tilespmem:s10], [sflag:$0x5] =	stream.indirect_vreg.gather @!p0 [hbm4b:s3+s2], $0x80, v3, vm1, $0xb8;
	[tilespmem:$0x15180] =	vst v63  }
0x128: {  	s12 =	sadd.s32 @!p0 $0x15, s12;
	s16 =	sadd.s32 @!p0 $0x15, s16;
	s10 =	simm.s32 @!p0 $0xD980  }
0x129: {  	[tilespmem:s10], [sflag:$0x5] =	stream.indirect_vreg.gather @!p0 [hbm4b:s8+s2], $0x80, v3, vm1, $0xb8;
	[tilespmem:$0x15180] =	vst v63  }
.LBB2_2:
0x12a: {  	p0 =	seq.s32 s0, $0x0  }
0x12b: {  	_ =	swait.ge [sflag:s30], $0x7000;
	p1 =	seq.s32 @!p0 s0, $0x24C00  }
0x12c: {  	s2 =	sadd.s32 s0, s11;
	[sflag:s30] =	ssyncset.done $0x0;
	p1 =	por p0, !p1  }
.Ltmp4:
0x12d: {  	s10 =	simm.s32 @!p0 $0x9;
	[sflag:s30] =	ssyncadd.s32 $0xFFFF9000;
	(pc) =	sbr.rel @!p1 .LBB2_4-.Ltmp4, $4  }
0x12e: {  	[hbm4b:s2+s4] =	stream.linear.scatter [tilespmem:s17], [sflag:$0x7], $0x7000, $0x38;
	[tilespmem:$0x15180] =	vst v63  }
0x12f: {  	_ =	swait.ge @!p0 [sflag:s10], $0x7000  }
0x130: {  	[sflag:s10] =	ssyncset.done @!p0 $0x0  }
0x131: {  	[sflag:s10] =	ssyncadd.s32 @!p0 $0xFFFF9000  }
0x132: {  	s10 =	sshrl.u32 s13, $0x3;
	s19 =	rddreg [dreg:$0x0]  }
0x133: {  	s10 =	sadd.s32 s19, s10  }
0x134: {  	[tilespmem:s4], [sflag:$0x1] =	stream.linear.gather [hbm4b:s10+s4], $0x38, $0x38;
	[tilespmem:$0x15180] =	vst v63  }
0x135: {  	_ =	swait.ge [sflag:s18], $0x38  }
0x136: {  	[sflag:s18] =	ssyncset.done $0x0  }
0x137: {  	[sflag:s18] =	ssyncadd.s32 $0xFFFFFFC8  }
0x138: {  	v3 =	vld [tilespmem:$0x100];
	_ =	sdelay $0x4  }
0x139: {  	v4 =	vshll.u32 v3, $0x2  }
0x13a: {  	v3 =	vand.u32 $0x7, v3;
	v4 =	vand.u32 $0xFFFFFFE0, v4  }
0x13b: {  	v3 =	vor.u32 v3, v4  }
0x13c: {  	v4 =	vperm.xlane v3, v0;
	_ =	sdelay $0x1  }
0x13d: {  	v4 =	vadd.s32 v1, v4;
	_ =	sdelay $0x1  }
0x13e: {  	v3 =	vperm.xlane v3, v2;
	_ =	sdelay $0x1  }
0x13f: {  	s19 =	simm.s32 $0xE180;
	v3 =	vadd.s32 v1, v3  }
0x140: {  	[tilespmem:s19], [sflag:$0x6] =	stream.indirect_vreg.gather [hbm4b:s3+s4], $0x80, v4, vm0, $0xb8;
	[tilespmem:$0x15180] =	vst v63  }
0x141: {  	_ = 	snop  }
0x142: {  	[tilespmem:s20], [sflag:$0x6] =	stream.indirect_vreg.gather [hbm4b:s8+s4], $0x80, v4, vm0, $0xb8;
	[tilespmem:$0x15180] =	vst v63  }
0x143: {  	_ = 	snop  }
0x144: {  	[tilespmem:s21], [sflag:$0x6] =	stream.indirect_vreg.gather [hbm4b:s3+s4], $0x80, v3, vm0, $0xb8;
	[tilespmem:$0x15180] =	vst v63  }
0x145: {  	_ = 	snop  }
0x146: {  	[tilespmem:s22], [sflag:$0x6] =	stream.indirect_vreg.gather [hbm4b:s8+s4], $0x80, v3, vm0, $0xb8;
	[tilespmem:$0x15180] =	vst v63  }
0x147: {  	v3 =	vld [tilespmem:$0x110];
	_ =	sdelay $0x4  }
0x148: {  	v61 =	vshll.u32 v3, $0x2  }
0x149: {  	v3 =	vand.u32 $0x7, v3;
	v4 =	vand.u32 $0xFFFFFFE0, v61  }
0x14a: {  	v3 =	vor.u32 v3, v4  }
0x14b: {  	v4 =	vperm.xlane v3, v0;
	_ =	sdelay $0x1  }
0x14c: {  	v4 =	vadd.s32 v1, v4;
	_ =	sdelay $0x1  }
0x14d: {  	v3 =	vperm.xlane v3, v2;
	_ =	sdelay $0x1  }
0x14e: {  	v3 =	vadd.s32 v1, v3  }
0x14f: {  	[tilespmem:s23], [sflag:$0x6] =	stream.indirect_vreg.gather [hbm4b:s3+s4], $0x80, v4, vm0, $0xb8;
	[tilespmem:$0x15180] =	vst v63  }
0x150: {  	_ = 	snop  }
0x151: {  	[tilespmem:s24], [sflag:$0x6] =	stream.indirect_vreg.gather [hbm4b:s8+s4], $0x80, v4, vm0, $0xb8;
	[tilespmem:$0x15180] =	vst v63  }
0x152: {  	_ = 	snop  }
0x153: {  	[tilespmem:s25], [sflag:$0x6] =	stream.indirect_vreg.gather [hbm4b:s3+s4], $0x80, v3, vm0, $0xb8;
	[tilespmem:$0x15180] =	vst v63  }
0x154: {  	_ = 	snop  }
0x155: {  	[tilespmem:s26], [sflag:$0x6] =	stream.indirect_vreg.gather [hbm4b:s8+s4], $0x80, v3, vm0, $0xb8;
	[tilespmem:$0x15180] =	vst v63  }
0x156: {  	v3 =	vld [tilespmem:$0x120];
	_ =	sdelay $0x4  }
0x157: {  	v62 =	vshll.u32 v3, $0x2  }
0x158: {  	v3 =	vand.u32 $0x7, v3;
	v4 =	vand.u32 $0xFFFFFFE0, v62  }
0x159: {  	v3 =	vor.u32 v3, v4  }
0x15a: {  	v4 =	vperm.xlane v3, v0;
	_ =	sdelay $0x1  }
0x15b: {  	v4 =	vadd.s32 v1, v4;
	_ =	sdelay $0x1  }
0x15c: {  	v3 =	vperm.xlane v3, v2;
	_ =	sdelay $0x1  }
0x15d: {  	v3 =	vadd.s32 v1, v3  }
0x15e: {  	[tilespmem:s28], [sflag:$0x6] =	stream.indirect_vreg.gather [hbm4b:s3+s4], $0x80, v4, vm0, $0xb8;
	[tilespmem:$0x15180] =	vst v63  }
0x15f: {  	_ = 	snop  }
0x160: {  	[tilespmem:s29], [sflag:$0x6] =	stream.indirect_vreg.gather [hbm4b:s8+s4], $0x80, v4, vm0, $0xb8;
	[tilespmem:$0x15180] =	vst v63  }
0x161: {  	_ = 	snop  }
0x162: {  	[tilespmem:s6], [sflag:$0x6] =	stream.indirect_vreg.gather [hbm4b:s3+s4], $0x80, v3, vm0, $0xb8;
	[tilespmem:$0x15180] =	vst v63  }
0x163: {  	_ = 	snop  }
0x164: {  	[tilespmem:s7], [sflag:$0x6] =	stream.indirect_vreg.gather [hbm4b:s8+s4], $0x80, v3, vm0, $0xb8;
	[tilespmem:$0x15180] =	vst v63  }
0x165: {  	v3 =	vld.msk [tilespmem:$0x130], $0xff;
	_ =	sdelay $0x4  }
0x166: {  	v63 =	vshll.u32 v3, $0x2  }
0x167: {  	v3 =	vand.u32 $0x7, v3;
	v4 =	vand.u32 $0xFFFFFFE0, v63  }
0x168: {  	v3 =	vor.u32 v3, v4  }
0x169: {  	v3 =	vperm.xlane v3, v0;
	_ =	sdelay $0x1  }
0x16a: {  	v3 =	vadd.s32 v1, v3;
	_ =	sdelay $0x2  }
.Ltmp5:
0x16b: {  	_ = 	snop;
	(pc) =	sbr.rel .LBB2_4-.Ltmp5, $4  }
0x16c: {  	_ = 	snop  }
0x16d: {  	[tilespmem:s9], [sflag:$0x6] =	stream.indirect_vreg.gather [hbm4b:s3+s4], $0x80, v3, vm0, $0xb8;
	[tilespmem:$0x15180] =	vst v63  }
0x16e: {  	_ = 	snop  }
0x16f: {  	[tilespmem:s5], [sflag:$0x6] =	stream.indirect_vreg.gather [hbm4b:s8+s4], $0x80, v3, vm0, $0xb8;
	[tilespmem:$0x15180] =	vst v63  }
.LBB2_6:
0x170: {  	_ =	sfence.sel $0x180000  }
0x171: {  	[bflag:$0x0] =	sbarrier.arrive $0xFFFF  }
0x172: {  	_ =	strace $0x90000047  }
0x173: {  	s0 =	stileid.u32;
	[bflag:$0x2] =	sbarrier.arrive $0xFFFF  }
0x174: {  	p0 =	sne.s32 s0, $0x0;
	s0 =	rddreg [dreg:$0x3]  }
0x175: {  	s0 =	sadd.s32 @!p0 $0x100000, s0  }
0x176: {  	[sflag:s0] =	ssyncadd.tile.s32 @!p0 $0x1;
	_ =	shalt  }
.Lfunc_end2:
_tile_overlayer_lowered:
.L_overlay_start_2:
0x177: {  	(tag) =	ssettag $0x2  }
0x178: {  	s0 =	rddreg [dreg:$0x0];
	s2 =	stileid.u32  }
0x179: {  	s1 =	rddreg [dreg:$0x1];
	p0 =	sne.s32 s2, $0x0  }
0x17a: {  	s3 =	rddreg [dreg:$0x2];
	[bflag:$0x3] =	sbarrier.arrive $0xFFFF;
	s2 =	simm.s32 @!p0 $0x1C0A  }
0x17b: {  	[timem:s3], [sflag:s2] =	dma.local @!p0 [hbm:s0], s1  }
0x17c: {  	s0 =	simm.s32 @!p0 $0xA  }
0x17d: {  	_ =	swait.ge @!p0 [sflag:s0], s1  }
0x17e: {  	s1 =	ssub.s32 @!p0 $0x0, s1;
	[sflag:s0] =	ssyncset.done @!p0 $0x0  }
0x17f: {  	[sflag:s0] =	ssyncadd.s32 @!p0 s1  }
0x180: {  	[bflag:$0x3] =	sbarrier.arrive $0xFFFF  }
0x181: {  	_ =	shalt  }

// kernel: sparse-core-data-format-call.cloned.1.call-start
scs
called_computation_lowered:
.L_overlay_start_0:
0x0: {  	s2 =	sld [smem:$0x3FD9]  }
0x1: {  	s3 =	sld [smem:$0x3FFE];
	_ =	sdelay $0x1  }
0x2: {  	s1 =	srdreg.scid  }
0x3: {  	s0 =	sand.u32 $0x1, s1  }
0x4: {  	s18 =	sshll.u32 s0, $0xA;
	s2 =	sadd.s32 s3, s2  }
0x5: {  	s2 =	sadd.s32 s2, s18  }
0x6: {  	[smem:$0x3FC5] =	sst s2  }
0x7: {  	_ = 	snop  }
0x8: {  	s2 =	sld [smem:$0x3FD0];
	(tm) =	ssettm $0x1  }
0x9: {  	s19 =	sld [smem:$0x3FFB];
	_ =	sdelay $0x3  }
0xa: {  	_ =	strace s19  }
0xb: {  	s3 =	sld [smem:$0x3FFC];
	_ =	sdelay $0x3  }
0xc: {  	_ =	strace s3  }
0xd: {  	s3 =	sld [smem:$0x3FFD];
	_ =	sdelay $0x3  }
0xe: {  	_ =	strace s3  }
0xf: {  	_ =	strace $0x8FFFFFFF  }
0x10: {  	s20 =	sld [smem:$0x3FDB];
	_ =	sdelay $0x1  }
0x11: {  	s4 =	simm.s32 $_scs_section_size  }
0x12: {  	s5 =	simm.s32 $_size__tile_overlayer_lowered;
	s6 =	simm.s32 $_tile_overlayer_lowered  }
0x13: {  	s23 =	simm.s32 $0x1BFF;
	s22 =	sshll.u32 s6, $0x1;
	s3 =	sadd.s32 s4, s20  }
0x14: {  	s7 =	simm.s32 $0x0;
	s21 =	sshll.u32 s5, $0x1;
	s5 =	sadd.s32 s22, s3  }
0x15: {  	[timem:s7], [sflag:s23] =	dma.local [hbm:s5], s21  }
0x16: {  	_ =	swait.ge [sflag:s23], s21  }
0x17: {  	s4 =	ssub.s32 $0x0, s21;
	[sflag:s23] =	ssyncset.done $0x0  }
0x18: {  	[sflag:s23] =	ssyncadd.s32 s4;
	_ =	sdelay $0x1  }
0x19: {  	s24 =	simm.s32 $0x1B8B  }
0x1a: {  	_ =	swait.ge [sflag:s24], $0x1  }
0x1b: {  	[sflag:s24] =	ssyncset.done $0x0  }
0x1c: {  	s26 =	simm.s32 $0x1B8E;
	s25 =	sld [smem:$0x3FFE];
	[sflag:s24] =	ssyncadd.s32 $0xFFFFFFFF  }
0x1d: {  	s27 =	simm.s32 $execute0_lowered;
	[smem:$0x3FD2] =	sst s26  }
0x1e: {  	s5 =	sshll.u32 s27, $0x1;
	_ =	strace $0x80000049;
	[dreg:$0x1] =	wrdreg $0xFFFFFFFF  }
0x1f: {  	s28 =	simm.s32 $_size_execute0_lowered;
	s3 =	sadd.s32 s3, s5;
	[dreg:$0x0] =	wrdreg $0x0  }
0x20: {  	s5 =	sshll.u32 s28, $0x1;
	[dreg:$0x2] =	wrdreg s3  }
0x21: {  	[dreg:$0x3] =	wrdreg s5  }
0x22: {  	[dreg:$0x4] =	wrdreg $0xC0  }
0x23: {  	_ =	task [dreg:s7], $0x5FFFF  }
0x24: {  	[dreg:$0x1] =	wrdreg $0xFFFFFFFF  }
0x25: {  	[dreg:$0x0] =	wrdreg $0x60  }
0x26: {  	[dreg:$0x2] =	wrdreg s25  }
0x27: {  	[dreg:$0x3] =	wrdreg s2  }
0x28: {  	[dreg:$0x4] =	wrdreg $0x9  }
0x29: {  	_ =	task.clear_ibuf [dreg:s7], $0x5FFFF;
	_ =	strace $0x90000049  }
0x2a: {  	s29 =	simm.s32 $0x9;
	_ =	strace $0x8000004B  }
0x2b: {  	_ =	swait.ge [sflag:s29], $0x1  }
0x2c: {  	[sflag:s29] =	ssyncadd.s32 $0xFFFFFFFF  }
0x2d: {  	_ =	strace $0x9000004B  }
0x2e: {  	_ =	sfence  }
0x2f: {  	s30 =	sld [smem:$0x0];
	_ =	sdelay $0x2  }
0x30: {  	s31 =	sshll.u32 s1, $0xD;
	s1 =	sshrl.u32 s1, $0x2  }
0x31: {  	s3 =	sand.u32 $0x4000, s31;
	s1 =	sadd.s32 s1, s30  }
0x32: {  	s0 =	sor.u32 s3, s0;
	s1 =	sshll.u32 s1, $0x11  }
0x33: {  	s0 =	sor.u32 s1, s0  }
0x34: {  	s0 =	sadd.s32 $0x8F2B, s0  }
0x35: {  	[sflag:s0] =	ssyncadd.remote.s32 $0x1  }
0x36: {  	_ =	sfence.sel $0xFFFF  }
0x37: {  	[dreg:$0x0] =	wrdreg $0xFFFFFFFF;
	(pc) =	sbr.abs _section_cstart, $3  }
0x38: {  	[dreg:$0x1] =	wrdreg $0xFFFFFFFF  }
0x39: {  	_ =	task.clear_ibuf [dreg:s7], $0x2FFFF;
	_ =	strace $0x9FFFFFFF  }
0x3a: {  	(tm) =	ssettm $0x7FFFFFFF  }
0x3b: {  	_ =	shalt  }
tec
execute0_lowered:
.L_overlay_start_1:
0x0: {  	(tag) =	ssettag $0x1  }
0x1: {  	s0 =	srdreg.scid  }
0x2: {  	s1 =	sshll.u32 s0, $0x4  }
0x3: {  	s8 =	rddreg [dreg:$0x0];
	s0 =	stileid.u32;
	s1 =	sand.u32 $0x10, s1  }
0x4: {  	s3 =	rddreg [dreg:$0x1];
	s29 =	sshll.u32 s0, $0x7;
	s7 =	sor.u32 s0, s1  }
0x5: {  	s30 =	simm.s32 $0x2;
	s1 =	sand.u32 $0x380, s29;
	s2 =	sshll.u32 s7, $0x4  }
0x6: {  	s18 =	simm.s32 $0x0;
	s4 =	ssub.s32 $0x400, s1;
	s2 =	sand.u32 $0x180, s2  }
0x7: {  	s11 =	simm.s32 $0x1000;
	s5 =	sand.u32 $0x380, s4;
	s6 =	ssub.s32 $0x200, s2  }
0x8: {  	p0 =	sne.s32 s5, $0x0;
	s5 =	simm.s32 $0x1;
	s9 =	sand.u32 $0x180, s6  }
0x9: {  	s5 =	simm.s32 @!p0 $0x0;
	p0 =	sne.s32 s9, $0x0;
	s9 =	simm.s32 $0x1  }
0xa: {  	s10 =	sshrl.u32 s4, $0xA;
	s6 =	sshrl.u32 s6, $0x9;
	s9 =	simm.s32 @!p0 $0x0  }
0xb: {  	s12 =	simm.s32 $0x0;
	s10 =	sadd.s32 s5, s10;
	s6 =	sadd.s32 s9, s6  }
0xc: {  	s16 =	simm.s32 $0x0;
	s17 =	simm.s32 $0x0;
	s6 =	smul.u32 s6, s10  }
.Ltmp0:
0xd: {  	s13 =	simm.s32 $0x0;
	s15 =	simm.s32 $0x0;
	(pc) =	sbr.rel .LBB1_1-.Ltmp0, $4  }
0xe: {  	s31 =	sshll.u32 s7, $0x7;
	s7 =	sadd.s32 $0xA00, s8;
	s4 =	rddreg [dreg:$0x2]  }
0xf: {  	_ =	strace $0x8000004A;
	s5 =	simm.s32 $0x1;
	s6 =	smul.u32 $0x4D, s6  }
0x10: {  	s14 =	smov.u32 s1;
	s8 =	sand.u32 $0xC00, s31;
	[sflag:s5] =	ssyncpa.u1 $0x0  }
0x11: {  	[sflag:s30] =	ssyncpa.u1 $0x0;
	s10 =	simm.s32 $0x400;
	s9 =	sadd.s32 $0x1, s6  }
.LBB1_4:
0x12: {  	_ =	sdelay $0x3  }
0x13: {  	[tilespmem:v0+s21+$0xFFFFFFD0 ss:$0x1] =	vst.idx.msk $0xffff, v6  }
0x14: {  	v56 =	vld.idx.msk [tilespmem:v1+s20+$0x0 ss:$0x1], $0xffff;
	[tilespmem:v0+s21+$0xFFFFFFE0 ss:$0x1] =	vst.idx.msk $0xffff, v4  }
0x15: {  	v57 =	vld.idx.msk [tilespmem:v1+s20+$0xFFFFFF90 ss:$0x1], $0xffff;
	[tilespmem:v0+s21+$0xFFFFFFF0 ss:$0x1] =	vst.idx.msk $0xffff, v2  }
0x16: {  	v58 =	vld.idx.msk [tilespmem:v1+s20+$0xFFFFFFA0 ss:$0x1], $0xffff;
	[tilespmem:v0+s21+$0x0 ss:$0x1] =	vst.idx.msk $0xffff, v3  }
0x17: {  	v59 =	vld.idx.msk [tilespmem:v1+s20+$0xFFFFFFB0 ss:$0x1], $0xffff;
	[tilespmem:v0+s21+$0x10 ss:$0x1] =	vst.idx.msk $0xffff, v5  }
0x18: {  	v60 =	vld.idx.msk [tilespmem:v1+s20+$0xFFFFFFC0 ss:$0x1], $0xffff;
	[tilespmem:v0+s21+$0x20 ss:$0x1] =	vst.idx.msk $0xffff, v7  }
0x19: {  	v61 =	vld.idx.msk [tilespmem:v1+s20+$0xFFFFFFD0 ss:$0x1], $0xffff;
	[tilespmem:v0+s20+$0x30 ss:$0x1] =	vst.idx.msk $0xffff, v56  }
0x1a: {  	v62 =	vld.idx.msk [tilespmem:v1+s20+$0xFFFFFFE0 ss:$0x1], $0xffff;
	s29 =	sshll.u32 s17, $0x9;
	[tilespmem:v0+s20+$0xFFFFFFC0 ss:$0x1] =	vst.idx.msk $0xffff, v57  }
0x1b: {  	v63 =	vld.idx.msk [tilespmem:v1+s20+$0xFFFFFFF0 ss:$0x1], $0xffff;
	s18 =	sshll.u32 s18, $0x3;
	s22 =	sshll.u32 s17, $0x7;
	s21 =	sand.u32 $0x7F000, s29;
	[tilespmem:v0+s20+$0xFFFFFFD0 ss:$0x1] =	vst.idx.msk $0xffff, v58  }
0x1c: {  	s30 =	sand.u32 $0x200, s22;
	s18 =	sor.u32 s21, s18;
	[tilespmem:v0+s20+$0xFFFFFFE0 ss:$0x1] =	vst.idx.msk $0xffff, v59  }
0x1d: {  	s16 =	sshll.u32 s16, $0x10;
	s31 =	sshll.u32 s17, $0x4;
	s18 =	sor.u32 s30, s18;
	[tilespmem:v0+s20+$0xFFFFFFF0 ss:$0x1] =	vst.idx.msk $0xffff, v60  }
0x1e: {  	s17 =	sand.u32 $0x30, s31;
	s16 =	sadd.s32 s3, s16;
	s18 =	sshrl.u32 s18, $0x3;
	[tilespmem:v0+s20+$0x0 ss:$0x1] =	vst.idx.msk $0xffff, v61  }
0x1f: {  	s16 =	sadd.s32 s17, s16;
	[tilespmem:v0+s20+$0x10 ss:$0x1] =	vst.idx.msk $0xffff, v62;
	s18 =	sand.u32 $0xFFC0, s18  }
0x20: {  	[tilespmem:v0+s20+$0x20 ss:$0x1] =	vst.idx.msk $0xffff, v63;
	s16 =	sadd.s32 s18, s16  }
0x21: {  	[hbm4b:s16+s10] =	stream.strided.scatter [tilespmem:s19], [sflag:$0x2], $0x4000, s11, s10, $0x38;
	[tilespmem:$0x10000] =	vst v63  }
.LBB1_5:
0x22: {  	s19 =	sadd.s32 $0x1, s13  }
0x23: {  	s16 =	sadd.s32 $0x400, s14;
	s20 =	smov.u32 s14;
	p1 =	sgt.s32 s19, $0x4C  }
0x24: {  	s20 =	smov.u32 @p1 s16  }
0x25: {  	s19 =	simm.s32 @p1 $0x0;
	p1 =	sgt.s32 s20, $0x3FF  }
0x26: {  	s20 =	smov.u32 @p1 s1;
	p1 =	sne.s32 s15, s9  }
.Ltmp1:
0x27: {  	p0 =	slt.u32 s15, $0x2;
	(pc) =	sbr.rel @!p1 .LBB1_6-.Ltmp1, $4  }
0x28: {  	s17 =	smov.u32 s14;
	s18 =	simm.s32 @!p0 $0x2  }
0x29: {  	s12 =	sadd.s32 $0x4000, s12;
	_ =	swait.ge @!p0 [sflag:s18], $0x4000;
	s16 =	smov.u32 s13  }
0x2a: {  	[sflag:s18] =	ssyncset.done @!p0 $0x0;
	s13 =	smov.u32 s19;
	s15 =	sadd.s32 $0x1, s15  }
0x2b: {  	[sflag:s18] =	ssyncadd.s32 @!p0 $0xFFFFC000;
	s18 =	smov.u32 s2;
	s14 =	smov.u32 s20  }
.LBB1_1:
0x2c: {  	p0 =	sge.u32 s15, s6  }
0x2d: {  	s19 =	sshll.u32 @!p0 s13, $0x9  }
0x2e: {  	s20 =	sshll.u32 @!p0 s13, $0x7;
	s19 =	sand.u32 @!p0 $0xFFFFF000, s19  }
0x2f: {  	s20 =	sand.u32 @!p0 $0x200, s20;
	s19 =	sor.u32 @!p0 s8, s19  }
0x30: {  	s19 =	sor.u32 @!p0 s20, s19  }
0x31: {  	s19 =	sshrl.u32 @!p0 s19, $0x9  }
0x32: {  	s20 =	smulhi.u32 @!p0 $0x3333334, s19;
	_ =	sdelay $0x1  }
0x33: {  	s20 =	smul.u32 @!p0 $0x50, s20  }
0x34: {  	s31 =	sadd.s32 $0xFFFFFFFF, s15;
	s21 =	smul.u32 @!p0 $0x1400, s14  }
0x35: {  	s22 =	sxor.u32 @!p0 $0xFFFFFFFF, s15;
	s19 =	ssub.s32 @!p0 s19, s20;
	s20 =	sshll.u32 @!p0 s13, $0x4  }
0x36: {  	s22 =	sshll.u32 @!p0 s22, $0xE;
	s21 =	sadd.s32 @!p0 s7, s21;
	s20 =	sand.u32 @!p0 $0x30, s20  }
0x37: {  	s22 =	sand.u32 @!p0 $0x4000, s22;
	s19 =	sshll.u32 @!p0 s19, $0x6;
	s20 =	sadd.s32 @!p0 s20, s21  }
0x38: {  	s21 =	simm.s32 @!p0 $0xA000;
	s19 =	sadd.s32 @!p0 s19, s20;
	s20 =	simm.s32 @!p0 $0x80  }
0x39: {  	[tilespmem:s22], [sflag:$0x1] =	stream.strided.gather @!p0 [hbm4b:s19+s20], $0x4000, s21, s20, $0x38;
	[tilespmem:$0x10000] =	vst v63  }
0x3a: {  	p0 =	sge.u32 s31, s6  }
.Ltmp2:
0x3b: {  	_ = 	snop;
	(pc) =	sbr.rel @p0 .LBB1_5-.Ltmp2, $1  }
0x3c: {  	_ =	sdelay $0x3  }
0x3d: {  	s19 =	sand.u32 $0x4000, s12  }
0x3e: {  	s20 =	sor.u32 $0x70, s19  }
0x3f: {  	v1 =	vmov s20;
	_ =	sdelay $0x1  }
0x40: {  	_ =	swait.ge [sflag:s5], $0x4000  }
0x41: {  	[sflag:s5] =	ssyncset.done $0x0  }
0x42: {  	s21 =	simm.s32 $0x0;
	[sflag:s5] =	ssyncadd.s32 $0xFFFFC000  }
0x43: {  	s19 =	sor.u32 $0x8040, s19;
	v7 =	vld.idx.msk [tilespmem:v1+s21+$0x0 ss:$0x1], $0xffff  }
0x44: {  	v0 =	vmov s19;
	v8 =	vld.idx.msk [tilespmem:v1+s21+$0xFFFFFF90 ss:$0x1], $0xffff  }
0x45: {  	v6 =	vld.idx.msk [tilespmem:v1+s21+$0xFFFFFFA0 ss:$0x1], $0xffff  }
0x46: {  	v4 =	vld.idx.msk [tilespmem:v1+s21+$0xFFFFFFB0 ss:$0x1], $0xffff  }
0x47: {  	v2 =	vld.idx.msk [tilespmem:v1+s21+$0xFFFFFFC0 ss:$0x1], $0xffff  }
0x48: {  	s31 =	sshll.u32 s15, $0xE;
	v3 =	vld.idx.msk [tilespmem:v1+s21+$0xFFFFFFD0 ss:$0x1], $0xffff  }
0x49: {  	s19 =	sand.u32 $0x4000, s31;
	v5 =	vld.idx.msk [tilespmem:v1+s21+$0xFFFFFFE0 ss:$0x1], $0xffff;
	[tilespmem:v0+s21+$0x30 ss:$0x1] =	vst.idx.msk $0xffff, v7  }
0x4a: {  	s22 =	simm.s32 $0x400;
	s20 =	simm.s32 $0x80;
	s19 =	sor.u32 $0x8000, s19;
	[tilespmem:v0+s21+$0xFFFFFFC0 ss:$0x1] =	vst.idx.msk $0xffff, v8;
	v7 =	vld.idx.msk [tilespmem:v1+s21+$0xFFFFFFF0 ss:$0x1], $0xffff  }
.LBB1_3:
0x4b: {  	p0 =	sne.s32 s22, $0xFE00;
	v8 =	vld.idx.msk [tilespmem:v1+s20+$0x0 ss:$0x1], $0xffff;
	[tilespmem:v0+s21+$0xFFFFFFD0 ss:$0x1] =	vst.idx.msk $0xffff, v6  }
0x4c: {  	v9 =	vld.idx.msk [tilespmem:v1+s20+$0xFFFFFF90 ss:$0x1], $0xffff;
	[tilespmem:v0+s21+$0xFFFFFFE0 ss:$0x1] =	vst.idx.msk $0xffff, v4  }
0x4d: {  	v6 =	vld.idx.msk [tilespmem:v1+s20+$0xFFFFFFA0 ss:$0x1], $0xffff;
	[tilespmem:v0+s21+$0xFFFFFFF0 ss:$0x1] =	vst.idx.msk $0xffff, v2  }
.Ltmp3:
0x4e: {  	v4 =	vld.idx.msk [tilespmem:v1+s20+$0xFFFFFFB0 ss:$0x1], $0xffff;
	[tilespmem:v0+s21+$0x0 ss:$0x1] =	vst.idx.msk $0xffff, v3;
	(pc) =	sbr.rel @p0 .LBB1_3-.Ltmp3, $4  }
0x4f: {  	v2 =	vld.idx.msk [tilespmem:v1+s20+$0xFFFFFFC0 ss:$0x1], $0xffff;
	[tilespmem:v0+s21+$0x10 ss:$0x1] =	vst.idx.msk $0xffff, v5  }
0x50: {  	v3 =	vld.idx.msk [tilespmem:v1+s20+$0xFFFFFFD0 ss:$0x1], $0xffff;
	[tilespmem:v0+s21+$0x20 ss:$0x1] =	vst.idx.msk $0xffff, v7;
	s21 =	smov.u32 s20  }
0x51: {  	v5 =	vld.idx.msk [tilespmem:v1+s21+$0xFFFFFFE0 ss:$0x1], $0xffff;
	[tilespmem:v0+s21+$0x30 ss:$0x1] =	vst.idx.msk $0xffff, v8  }
0x52: {  	s20 =	sshra.s32 s22, $0x2;
	s22 =	sadd.s32 $0x200, s22;
	[tilespmem:v0+s21+$0xFFFFFFC0 ss:$0x1] =	vst.idx.msk $0xffff, v9;
	v7 =	vld.idx.msk [tilespmem:v1+s21+$0xFFFFFFF0 ss:$0x1], $0xffff  }
.Ltmp4:
0x53: {  	_ = 	snop;
	(pc) =	sbr.rel .LBB1_4-.Ltmp4, $1  }
0x54: {  	_ =	sdelay $0x3  }
.LBB1_6:
0x55: {  	_ =	sfence.sel $0x180000  }
0x56: {  	s1 =	simm.s32 $0x1;
	[bflag:$0x0] =	sbarrier.arrive $0xFFFF  }
0x57: {  	s31 =	simm.s32 $0x2;
	[sflag:s1] =	ssyncpa.u1 $0x1  }
0x58: {  	[sflag:s31] =	ssyncpa.u1 $0x1  }
0x59: {  	p0 =	sne.s32 s0, $0x0;
	_ =	strace $0x9000004A  }
0x5a: {  	s0 =	sadd.s32 @!p0 $0x100000, s4;
	[bflag:$0x2] =	sbarrier.arrive $0xFFFF  }
0x5b: {  	[sflag:s0] =	ssyncadd.tile.s32 @!p0 $0x1;
	_ =	shalt  }
.Lfunc_end1:
_tile_overlayer_lowered:
.L_overlay_start_2:
0x5c: {  	(tag) =	ssettag $0x2  }
0x5d: {  	s0 =	rddreg [dreg:$0x0];
	s2 =	stileid.u32  }
0x5e: {  	s1 =	rddreg [dreg:$0x1];
	p0 =	sne.s32 s2, $0x0  }
0x5f: {  	s3 =	rddreg [dreg:$0x2];
	[bflag:$0x3] =	sbarrier.arrive $0xFFFF;
	s2 =	simm.s32 @!p0 $0x1C01  }
0x60: {  	[timem:s3], [sflag:s2] =	dma.local @!p0 [hbm:s0], s1  }
0x61: {  	s0 =	simm.s32 @!p0 $0x1  }
0x62: {  	_ =	swait.ge @!p0 [sflag:s0], s1  }
0x63: {  	s1 =	ssub.s32 @!p0 $0x0, s1;
	[sflag:s0] =	ssyncset.done @!p0 $0x0  }
0x64: {  	[sflag:s0] =	ssyncadd.s32 @!p0 s1  }
0x65: {  	[bflag:$0x3] =	sbarrier.arrive $0xFFFF  }
0x66: {  	_ =	shalt  }

</sc_bundles>
